<compile_context>
chip_gen: v7x
topology: tpu7x:2x2x1
jax: 0.10.2.dev20260603
libtpu: 0.0.44.dev20260713+nightly
codegen_flags: <defaults>
</compile_context>

<pallas_src>
import functools
import jax
import jax.numpy as jnp
from jax.experimental import pallas as pl
from jax.experimental.pallas import tpu as pltpu

_N = 10000
_E = 640000
_KMAX = 192
_ROWS = 400


def _proj_body(x_ref, w_ref, m_ref, h_ref, a_ref):
    h = jnp.dot(x_ref[...], w_ref[...], preferred_element_type=jnp.float32)
    h_ref[...] = h
    a_ref[...] = jnp.dot(h, m_ref[...], preferred_element_type=jnp.float32)


def _proj(x, w, m):
    n, _ = x.shape
    dout = w.shape[1]
    na = m.shape[1]
    grid = (n // _ROWS,)
    return pl.pallas_call(
        _proj_body,
        grid=grid,
        in_specs=[
            pl.BlockSpec((_ROWS, x.shape[1]), lambda i: (i, 0)),
            pl.BlockSpec((w.shape[0], dout), lambda i: (0, 0)),
            pl.BlockSpec((m.shape[0], na), lambda i: (0, 0)),
        ],
        out_specs=[
            pl.BlockSpec((_ROWS, dout), lambda i: (i, 0)),
            pl.BlockSpec((_ROWS, na), lambda i: (i, 0)),
        ],
        out_shape=[
            jax.ShapeDtypeStruct((n, dout), jnp.float32),
            jax.ShapeDtypeStruct((n, na), jnp.float32),
        ],
    )(x, w, m)


def _edge1_body(src_ref, cnt_ref, h_ref, a_ref, b_ref, out_ref):
    d = pl.program_id(0)
    cnt = cnt_ref[0, 0, 0]
    adv = a_ref[pl.ds(d, 1), 0, :]
    ad0 = adv[:, 2:3]
    ad1 = adv[:, 3:4]
    lanes = jax.lax.broadcasted_iota(jnp.int32, (1, 512), 1)
    first = lanes < 256

    def body(k, carry):
        acc, dacc = carry
        s = src_ref[0, 0, k]
        hrow = h_ref[pl.ds(s, 1), 0, :]
        av = a_ref[pl.ds(s, 1), 0, :]
        w = jnp.where(first, av[:, 0:1] + ad0, av[:, 1:2] + ad1)
        w = jnp.where(w > 0, w, 0.2 * w)
        e = jnp.exp(w)
        return acc + e * hrow, dacc + e

    z = jnp.zeros((1, 512), jnp.float32)
    acc, dacc = jax.lax.fori_loop(0, cnt, body, (z, z))
    res = acc / (dacc + 1e-16) + b_ref[...]
    out_ref[0] = jnp.where(res > 0, res, jnp.exp(jnp.minimum(res, 0.0)) - 1.0)


def _edge2_body(src_ref, cnt_ref, h_ref, a_ref, b_ref, wfc_ref, bfc_ref,
                out_ref, mean_ref):
    d = pl.program_id(0)

    @pl.when(d == 0)
    def _():
        mean_ref[...] = jnp.zeros_like(mean_ref)

    cnt = cnt_ref[0, 0, 0]
    adv = a_ref[pl.ds(d, 1), 0, :]
    ad = adv[:, 1:2]

    def body(k, carry):
        acc, dacc = carry
        s = src_ref[0, 0, k]
        hrow = h_ref[pl.ds(s, 1), 0, :]
        av = a_ref[pl.ds(s, 1), 0, :]
        w = av[:, 0:1] + ad
        w = jnp.where(w > 0, w, 0.2 * w)
        e = jnp.exp(w)
        return acc + e * hrow, dacc + e

    acc, dacc = jax.lax.fori_loop(
        0, cnt, body,
        (jnp.zeros((1, 256), jnp.float32), jnp.zeros((1, 1), jnp.float32)))
    res = acc / (dacc + 1e-16) + b_ref[...]
    res = jnp.where(res > 0, res, jnp.exp(jnp.minimum(res, 0.0)) - 1.0)
    mean_ref[...] += res * (1.0 / _N)

    @pl.when(d == _N - 1)
    def _():
        out_ref[...] = (
            jnp.dot(mean_ref[...], wfc_ref[...],
                    preferred_element_type=jnp.float32) + bfc_ref[...])


def _edge_layer1(padded_src, counts, h, a, b):
    return pl.pallas_call(
        _edge1_body,
        grid=(_N,),
        in_specs=[
            pl.BlockSpec((1, 1, _KMAX), lambda d: (d, 0, 0),
                         memory_space=pltpu.SMEM),
            pl.BlockSpec((1, 1, 1), lambda d: (d, 0, 0),
                         memory_space=pltpu.SMEM),
            pl.BlockSpec((_N, 1, 512), lambda d: (0, 0, 0)),
            pl.BlockSpec((_N, 1, 4), lambda d: (0, 0, 0)),
            pl.BlockSpec((1, 512), lambda d: (0, 0)),
        ],
        out_specs=pl.BlockSpec((1, 1, 512), lambda d: (d, 0, 0)),
        out_shape=jax.ShapeDtypeStruct((_N, 1, 512), jnp.float32),
    )(padded_src, counts, h, a, b)


def _edge_layer2(padded_src, counts, h, a, b, wfc, bfc):
    return pl.pallas_call(
        _edge2_body,
        grid=(_N,),
        in_specs=[
            pl.BlockSpec((1, 1, _KMAX), lambda d: (d, 0, 0),
                         memory_space=pltpu.SMEM),
            pl.BlockSpec((1, 1, 1), lambda d: (d, 0, 0),
                         memory_space=pltpu.SMEM),
            pl.BlockSpec((_N, 1, 256), lambda d: (0, 0, 0)),
            pl.BlockSpec((_N, 1, 2), lambda d: (0, 0, 0)),
            pl.BlockSpec((1, 256), lambda d: (0, 0)),
            pl.BlockSpec((256, 3), lambda d: (0, 0)),
            pl.BlockSpec((1, 3), lambda d: (0, 0)),
        ],
        out_specs=pl.BlockSpec((1, 3), lambda d: (0, 0)),
        out_shape=jax.ShapeDtypeStruct((1, 3), jnp.float32),
        scratch_shapes=[pltpu.VMEM((1, 256), jnp.float32)],
    )(padded_src, counts, h, a, b, wfc, bfc)


def kernel(x, edge_index, W1, att_src1, att_dst1, b1, W2, att_src2, att_dst2,
           b2, Wfc, bfc):
    n = _N
    idt = edge_index.dtype
    loop = jnp.arange(n, dtype=idt)
    src = jnp.concatenate([edge_index[0], loop])
    dst = jnp.concatenate([edge_index[1], loop])
    order = jnp.argsort(dst)
    src_s = jnp.take(src, order).astype(jnp.int32)
    dst_s = jnp.take(dst, order).astype(jnp.int32)
    e2 = src_s.shape[0]
    start = jnp.searchsorted(dst_s, jnp.arange(n + 1, dtype=jnp.int32))
    counts = jnp.minimum(start[1:] - start[:-1], _KMAX).astype(jnp.int32)
    pos = jnp.arange(e2, dtype=jnp.int32) - jnp.take(start, dst_s).astype(jnp.int32)
    padded_src = jnp.zeros((n, _KMAX), jnp.int32).at[dst_s, pos].set(src_s)
    padded_src = padded_src.reshape(n, 1, _KMAX)
    counts = counts.reshape(n, 1, 1)

    m1 = jnp.zeros((2, 256, 4), jnp.float32)
    m1 = m1.at[0, :, 0].set(att_src1[0]).at[1, :, 1].set(att_src1[1])
    m1 = m1.at[0, :, 2].set(att_dst1[0]).at[1, :, 3].set(att_dst1[1])
    m1 = m1.reshape(512, 4)
    m2 = jnp.stack([att_src2[0], att_dst2[0]], axis=1)

    h1, a1 = _proj(x, W1, m1)
    o1 = _edge_layer1(padded_src, counts, h1.reshape(n, 1, 512),
                      a1.reshape(n, 1, 4), b1.reshape(1, 512)).reshape(n, 512)
    h2, a2 = _proj(o1, W2, m2)
    return _edge_layer2(padded_src, counts, h2.reshape(n, 1, 256),
                        a2.reshape(n, 1, 2), b2.reshape(1, 256),
                        Wfc, bfc.reshape(1, 3))

# --- scband reference (transcript-rebuilt; emitter-appended) ---
"""Pipeline reference for scband-hybrid-gat-67181878444405 (READ-ONLY COPY).

The authoritative reference and input builder live on the scoring server;
editing this copy changes nothing except your own understanding.
"""

import jax, jax.numpy as jnp
import numpy as np

N = 10000
E = 640000
IN_DIM = 133
HIDDEN = 256
HEADS1 = 2
NUM_CLASSES = 3


def setup_inputs(seed: int = 0) -> dict:
    key = jax.random.key(seed)
    ks = jax.random.split(key, 13)
    x = jax.random.normal(ks[0], (N, IN_DIM), dtype=jnp.float32)
    edge_index = jax.random.randint(ks[1], (2, E), 0, N)
    s1 = 1.0 / np.sqrt(IN_DIM)
    W1 = jax.random.normal(ks[2], (IN_DIM, HEADS1 * HIDDEN), dtype=jnp.float32) * s1
    att_src1 = jax.random.normal(ks[3], (HEADS1, HIDDEN), dtype=jnp.float32) * (1.0 / np.sqrt(HIDDEN))
    att_dst1 = jax.random.normal(ks[4], (HEADS1, HIDDEN), dtype=jnp.float32) * (1.0 / np.sqrt(HIDDEN))
    b1 = jnp.zeros((HEADS1 * HIDDEN,), dtype=jnp.float32)
    s2 = 1.0 / np.sqrt(HEADS1 * HIDDEN)
    W2 = jax.random.normal(ks[5], (HEADS1 * HIDDEN, 1 * HIDDEN), dtype=jnp.float32) * s2
    att_src2 = jax.random.normal(ks[6], (1, HIDDEN), dtype=jnp.float32) * (1.0 / np.sqrt(HIDDEN))
    att_dst2 = jax.random.normal(ks[7], (1, HIDDEN), dtype=jnp.float32) * (1.0 / np.sqrt(HIDDEN))
    b2 = jnp.zeros((HIDDEN,), dtype=jnp.float32)
    Wfc = jax.random.normal(ks[8], (HIDDEN, NUM_CLASSES), dtype=jnp.float32) * (1.0 / np.sqrt(HIDDEN))
    bfc = jnp.zeros((NUM_CLASSES,), dtype=jnp.float32)
    return {"x": x, "edge_index": edge_index, "W1": W1, "att_src1": att_src1, "att_dst1": att_dst1, "b1": b1, "W2": W2, "att_src2": att_src2, "att_dst2": att_dst2, "b2": b2, "Wfc": Wfc, "bfc": bfc}


def _gat_conv(x, edge_index, W, att_src, att_dst, bias, heads, out_ch):
    n = x.shape[0]
    loop = jnp.arange(n, dtype=edge_index.dtype)
    src = jnp.concatenate([edge_index[0], loop])
    dst = jnp.concatenate([edge_index[1], loop])
    h = (x @ W).reshape(n, heads, out_ch)
    a_src = (h * att_src[None, :, :]).sum(-1)
    a_dst = (h * att_dst[None, :, :]).sum(-1)
    alpha = a_src[src] + a_dst[dst]
    alpha = jax.nn.leaky_relu(alpha, negative_slope=0.2)
    amax = jax.ops.segment_max(alpha, dst, num_segments=n)
    amax = jnp.where(jnp.isfinite(amax), amax, 0.0)
    ealpha = jnp.exp(alpha - amax[dst])
    denom = jax.ops.segment_sum(ealpha, dst, num_segments=n)
    attn = ealpha / (denom[dst] + 1e-16)
    msg = h[src] * attn[:, :, None]
    out = jax.ops.segment_sum(msg, dst, num_segments=n)
    return out.reshape(n, heads * out_ch) + bias


def reference(x, edge_index, W1, att_src1, att_dst1, b1, W2, att_src2, att_dst2, b2, Wfc, bfc):
    h = jax.nn.elu(_gat_conv(x, edge_index, W1, att_src1, att_dst1, b1, HEADS1, HIDDEN))
    h = jax.nn.elu(_gat_conv(h, edge_index, W2, att_src2, att_dst2, b2, 1, HIDDEN))
    g = h.mean(axis=0, keepdims=True)
    return g @ Wfc + bfc

if __name__ == "__main__":
    import jax
    _d = setup_inputs()
    print(jax.jit(kernel)(*tuple(_d.values())))

</pallas_src>

<mosaic_0001>
module attributes {stable_mosaic.version = 14 : i64} {
  func.func @_proj_body(%arg0: i32, %arg1: memref<400x133xf32, #tpu.memory_space<vmem>>, %arg2: memref<133x512xf32, #tpu.memory_space<vmem>>, %arg3: memref<512x4xf32, #tpu.memory_space<vmem>>, %arg4: memref<400x512xf32, #tpu.memory_space<vmem>>, %arg5: memref<400x4xf32, #tpu.memory_space<vmem>>) attributes {dimension_semantics = [#tpu.dimension_semantics<arbitrary>], iteration_bounds = array<i64: 25>, scalar_prefetch = 0 : i64, scratch_operands = 0 : i64, tpu.core_type = #tpu.core_type<tc>, window_params = [{transform_indices = @transform_0, window_bounds = array<i64: 400, 133>}, {pipeline_mode = #tpu.pipeline_mode<synchronous>, transform_indices = @transform_1, window_bounds = array<i64: 133, 512>}, {pipeline_mode = #tpu.pipeline_mode<synchronous>, transform_indices = @transform_2, window_bounds = array<i64: 512, 4>}, {transform_indices = @transform_3, window_bounds = array<i64: 400, 512>}, {transform_indices = @transform_4, window_bounds = array<i64: 400, 4>}]} {
    %get3A = arith.constant 0 : index
    %get3A_0 = arith.constant 0 : index
    %get3A_1 = vector.load %arg1[%get3A, %get3A_0] : memref<400x133xf32, #tpu.memory_space<vmem>>, vector<400x133xf32>
    %get3A_2 = arith.constant 0 : index
    %get3A_3 = arith.constant 0 : index
    %get3A_4 = vector.load %arg2[%get3A_2, %get3A_3] : memref<133x512xf32, #tpu.memory_space<vmem>>, vector<133x512xf32>
    %dot_general3A = arith.constant dense<0.000000e+00> : vector<400x512xf32>
    %dot_general3A_5 = tpu.matmul %get3A_1, %get3A_4, %dot_general3A {dimension_numbers = #tpu.dot_dimension_numbers<[1], [0], [0], [1], [0, 0, 1, 1], [], []>, transpose_lhs_hint = false} : vector<400x133xf32>, vector<133x512xf32>, vector<400x512xf32> -> vector<400x512xf32>
    %swap3A = arith.constant 0 : index
    %swap3A_6 = arith.constant 0 : index
    %swap3A_7 = vector.load %arg4[%swap3A, %swap3A_6] : memref<400x512xf32, #tpu.memory_space<vmem>>, vector<400x512xf32>
    tpu.vector_store %arg4[%swap3A, %swap3A_6], %dot_general3A_5 {strides = array<i32>} : memref<400x512xf32, #tpu.memory_space<vmem>>, vector<400x512xf32>,
    %get3A_8 = arith.constant 0 : index
    %get3A_9 = arith.constant 0 : index
    %get3A_10 = vector.load %arg3[%get3A_8, %get3A_9] : memref<512x4xf32, #tpu.memory_space<vmem>>, vector<512x4xf32>
    %dot_general3A_11 = arith.constant dense<0.000000e+00> : vector<400x4xf32>
    %dot_general3A_12 = tpu.matmul %dot_general3A_5, %get3A_10, %dot_general3A_11 {dimension_numbers = #tpu.dot_dimension_numbers<[1], [0], [0], [1], [0, 0, 1, 1], [], []>, transpose_lhs_hint = false} : vector<400x512xf32>, vector<512x4xf32>, vector<400x4xf32> -> vector<400x4xf32>
    %swap3A_13 = arith.constant 0 : index
    %swap3A_14 = arith.constant 0 : index
    %swap3A_15 = vector.load %arg5[%swap3A_13, %swap3A_14] : memref<400x4xf32, #tpu.memory_space<vmem>>, vector<400x4xf32>
    tpu.vector_store %arg5[%swap3A_13, %swap3A_14], %dot_general3A_12 {strides = array<i32>} : memref<400x4xf32, #tpu.memory_space<vmem>>, vector<400x4xf32>,
    return
  }
  func.func @transform_0(%arg0: i32) -> (i32, i32) {
    %c0_i32 = arith.constant 0 : i32
    %c0_i32_0 = arith.constant 0 : i32
    return %arg0, %c0_i32 : i32, i32
  }
  func.func @transform_1(%arg0: i32) -> (i32, i32) {
    %c0_i32 = arith.constant 0 : i32
    %c0_i32_0 = arith.constant 0 : i32
    %c0_i32_1 = arith.constant 0 : i32
    return %c0_i32, %c0_i32_0 : i32, i32
  }
  func.func @transform_2(%arg0: i32) -> (i32, i32) {
    %c0_i32 = arith.constant 0 : i32
    %c0_i32_0 = arith.constant 0 : i32
    %c0_i32_1 = arith.constant 0 : i32
    return %c0_i32, %c0_i32_0 : i32, i32
  }
  func.func @transform_3(%arg0: i32) -> (i32, i32) {
    %c0_i32 = arith.constant 0 : i32
    %c0_i32_0 = arith.constant 0 : i32
    return %arg0, %c0_i32 : i32, i32
  }
  func.func @transform_4(%arg0: i32) -> (i32, i32) {
    %c0_i32 = arith.constant 0 : i32
    %c0_i32_0 = arith.constant 0 : i32
    return %arg0, %c0_i32 : i32, i32
  }
}

module attributes {stable_mosaic.version = 14 : i64} {
  func.func @_edge1_body(%arg0: i32, %arg1: memref<1x1x192xi32, #tpu.memory_space<smem>>, %arg2: memref<1x1x1xi32, #tpu.memory_space<smem>>, %arg3: memref<10000x1x512xf32, #tpu.memory_space<vmem>>, %arg4: memref<10000x1x4xf32, #tpu.memory_space<vmem>>, %arg5: memref<1x512xf32, #tpu.memory_space<vmem>>, %arg6: memref<1x1x512xf32, #tpu.memory_space<vmem>>) attributes {dimension_semantics = [#tpu.dimension_semantics<arbitrary>], iteration_bounds = array<i64: 10000>, scalar_prefetch = 0 : i64, scratch_operands = 0 : i64, tpu.core_type = #tpu.core_type<tc>, window_params = [{transform_indices = @transform_0, window_bounds = array<i64: 1, 1, 192>}, {transform_indices = @transform_1, window_bounds = array<i64: 1, 1, 1>}, {pipeline_mode = #tpu.pipeline_mode<synchronous>, transform_indices = @transform_2, window_bounds = array<i64: 10000, 1, 512>}, {pipeline_mode = #tpu.pipeline_mode<synchronous>, transform_indices = @transform_3, window_bounds = array<i64: 10000, 1, 4>}, {pipeline_mode = #tpu.pipeline_mode<synchronous>, transform_indices = @transform_4, window_bounds = array<i64: 1, 512>}, {transform_indices = @transform_5, window_bounds = array<i64: 1, 1, 512>}]} {
    %get3A = arith.constant 0 : index
    %get3A_0 = arith.constant 0 : index
    %get3A_1 = arith.constant 0 : index
    %get3A_2 = memref.load %arg2[%get3A, %get3A_0, %get3A_1] : memref<1x1x1xi32, #tpu.memory_space<smem>>
    %get3A_3 = arith.index_cast %arg0 : i32 to index
    %get3A_4 = arith.constant 0 : index
    %get3A_5 = arith.constant 0 : index
    %get3A_6 = vector.load %arg4[%get3A_3, %get3A_4, %get3A_5] : memref<10000x1x4xf32, #tpu.memory_space<vmem>>, vector<1x1x4xf32>
    %get3A_7 = vector.shape_cast %get3A_6 : vector<1x1x4xf32> to vector<1x4xf32>
    %slice3A = vector.extract_strided_slice %get3A_7 {offsets = [0, 2], sizes = [1, 1], strides = [1, 1]} : vector<1x4xf32> to vector<1x1xf32>
    %slice3A_8 = vector.extract_strided_slice %get3A_7 {offsets = [0, 3], sizes = [1, 1], strides = [1, 1]} : vector<1x4xf32> to vector<1x1xf32>
    %iota3A = tpu.iota {dimensions = array<i32: 1>} : vector<1x512xi32>
    %lt3A = arith.constant 256 : i32
    %lt3A_9 = vector.broadcast %lt3A : i32 to vector<1x512xi32>
    %lt3A_10 = arith.cmpi slt, %iota3A, %lt3A_9 : vector<1x512xi32>
    %broadcast_in_dim3A = arith.constant 0.000000e+00 : f32
    %broadcast_in_dim3A_11 = vector.broadcast %broadcast_in_dim3A : f32 to vector<1x512xf32>
    %while3A = arith.constant 0 : i32
    %while3A_12 = arith.subi %get3A_2, %while3A : i32
    %while3A_13 = arith.addi %while3A, %while3A_12 : i32
    %while3A_14 = arith.constant 1 : i32
    %while3A_15 = arith.divsi %while3A_12, %while3A_14 : i32
    %while3A_16 = arith.muli %while3A_15, %while3A_14 : i32
    %while3A_17 = arith.addi %while3A, %while3A_16 : i32
    %while3A_18 = arith.constant 1 : i32
    %while3A_19:2 = scf.for %while3A_39 = %while3A to %while3A_17 step %while3A_18 iter_args(%while3A_40 = %broadcast_in_dim3A_11, %while3A_41 = %broadcast_in_dim3A_11) -> (vector<1x512xf32>, vector<1x512xf32>)  : i32 {
      %get3A_42 = arith.constant 0 : index
      %get3A_43 = arith.constant 0 : index
      %get3A_44 = arith.index_cast %while3A_39 : i32 to index
      %get3A_45 = memref.load %arg1[%get3A_42, %get3A_43, %get3A_44] : memref<1x1x192xi32, #tpu.memory_space<smem>>
      %get3A_46 = arith.index_cast %get3A_45 : i32 to index
      %get3A_47 = arith.constant 0 : index
      %get3A_48 = arith.constant 0 : index
      %get3A_49 = vector.load %arg3[%get3A_46, %get3A_47, %get3A_48] : memref<10000x1x512xf32, #tpu.memory_space<vmem>>, vector<1x1x512xf32>
      %get3A_50 = vector.shape_cast %get3A_49 : vector<1x1x512xf32> to vector<1x512xf32>
      %get3A_51 = arith.index_cast %get3A_45 : i32 to index
      %get3A_52 = arith.constant 0 : index
      %get3A_53 = arith.constant 0 : index
      %get3A_54 = vector.load %arg4[%get3A_51, %get3A_52, %get3A_53] : memref<10000x1x4xf32, #tpu.memory_space<vmem>>, vector<1x1x4xf32>
      %get3A_55 = vector.shape_cast %get3A_54 : vector<1x1x4xf32> to vector<1x4xf32>
      %slice3A_56 = vector.extract_strided_slice %get3A_55 {offsets = [0, 0], sizes = [1, 1], strides = [1, 1]} : vector<1x4xf32> to vector<1x1xf32>
      %add3A_57 = arith.addf %slice3A_56, %slice3A : vector<1x1xf32>
      %slice3A_58 = vector.extract_strided_slice %get3A_55 {offsets = [0, 1], sizes = [1, 1], strides = [1, 1]} : vector<1x4xf32> to vector<1x1xf32>
      %add3A_59 = arith.addf %slice3A_58, %slice3A_8 : vector<1x1xf32>
      %broadcast_in_dim3A_60 = vector.shape_cast %add3A_57 : vector<1x1xf32> to vector<1x1xf32>
      %broadcast_in_dim3A_61 = vector.broadcast %broadcast_in_dim3A_60 : vector<1x1xf32> to vector<1x512xf32>
      %broadcast_in_dim3A_62 = vector.shape_cast %add3A_59 : vector<1x1xf32> to vector<1x1xf32>
      %broadcast_in_dim3A_63 = vector.broadcast %broadcast_in_dim3A_62 : vector<1x1xf32> to vector<1x512xf32>
      %select_n3A_64 = arith.select %lt3A_10, %broadcast_in_dim3A_61, %broadcast_in_dim3A_63 : vector<1x512xi1>, vector<1x512xf32>
      %gt3A_65 = arith.constant 0.000000e+00 : f32
      %gt3A_66 = vector.broadcast %gt3A_65 : f32 to vector<1x512xf32>
      %gt3A_67 = arith.cmpf ogt, %select_n3A_64, %gt3A_66 : vector<1x512xf32>
      %mul3A = arith.constant 2.000000e-01 : f32
      %mul3A_68 = vector.broadcast %mul3A : f32 to vector<1x512xf32>
      %mul3A_69 = arith.mulf %mul3A_68, %select_n3A_64 : vector<1x512xf32>
      %select_n3A_70 = arith.select %gt3A_67, %select_n3A_64, %mul3A_69 : vector<1x512xi1>, vector<1x512xf32>
      %exp3A_71 = math.exp %select_n3A_70 : vector<1x512xf32>
      %mul3A_72 = arith.mulf %exp3A_71, %get3A_50 : vector<1x512xf32>
      %add3A_73 = arith.addf %while3A_40, %mul3A_72 : vector<1x512xf32>
      %add3A_74 = arith.addf %while3A_41, %exp3A_71 : vector<1x512xf32>
      scf.yield %add3A_73, %add3A_74 : vector<1x512xf32>, vector<1x512xf32>
    }
    %while3A_20 = arith.constant 1 : i32
    %while3A_21:2 = scf.for %while3A_39 = %while3A_17 to %while3A_13 step %while3A_20 iter_args(%while3A_40 = %while3A_19#0, %while3A_41 = %while3A_19#1) -> (vector<1x512xf32>, vector<1x512xf32>)  : i32 {
      %get3A_42 = arith.constant 0 : index
      %get3A_43 = arith.constant 0 : index
      %get3A_44 = arith.index_cast %while3A_39 : i32 to index
      %get3A_45 = memref.load %arg1[%get3A_42, %get3A_43, %get3A_44] : memref<1x1x192xi32, #tpu.memory_space<smem>>
      %get3A_46 = arith.index_cast %get3A_45 : i32 to index
      %get3A_47 = arith.constant 0 : index
      %get3A_48 = arith.constant 0 : index
      %get3A_49 = vector.load %arg3[%get3A_46, %get3A_47, %get3A_48] : memref<10000x1x512xf32, #tpu.memory_space<vmem>>, vector<1x1x512xf32>
      %get3A_50 = vector.shape_cast %get3A_49 : vector<1x1x512xf32> to vector<1x512xf32>
      %get3A_51 = arith.index_cast %get3A_45 : i32 to index
      %get3A_52 = arith.constant 0 : index
      %get3A_53 = arith.constant 0 : index
      %get3A_54 = vector.load %arg4[%get3A_51, %get3A_52, %get3A_53] : memref<10000x1x4xf32, #tpu.memory_space<vmem>>, vector<1x1x4xf32>
      %get3A_55 = vector.shape_cast %get3A_54 : vector<1x1x4xf32> to vector<1x4xf32>
      %slice3A_56 = vector.extract_strided_slice %get3A_55 {offsets = [0, 0], sizes = [1, 1], strides = [1, 1]} : vector<1x4xf32> to vector<1x1xf32>
      %add3A_57 = arith.addf %slice3A_56, %slice3A : vector<1x1xf32>
      %slice3A_58 = vector.extract_strided_slice %get3A_55 {offsets = [0, 1], sizes = [1, 1], strides = [1, 1]} : vector<1x4xf32> to vector<1x1xf32>
      %add3A_59 = arith.addf %slice3A_58, %slice3A_8 : vector<1x1xf32>
      %broadcast_in_dim3A_60 = vector.shape_cast %add3A_57 : vector<1x1xf32> to vector<1x1xf32>
      %broadcast_in_dim3A_61 = vector.broadcast %broadcast_in_dim3A_60 : vector<1x1xf32> to vector<1x512xf32>
      %broadcast_in_dim3A_62 = vector.shape_cast %add3A_59 : vector<1x1xf32> to vector<1x1xf32>
      %broadcast_in_dim3A_63 = vector.broadcast %broadcast_in_dim3A_62 : vector<1x1xf32> to vector<1x512xf32>
      %select_n3A_64 = arith.select %lt3A_10, %broadcast_in_dim3A_61, %broadcast_in_dim3A_63 : vector<1x512xi1>, vector<1x512xf32>
      %gt3A_65 = arith.constant 0.000000e+00 : f32
      %gt3A_66 = vector.broadcast %gt3A_65 : f32 to vector<1x512xf32>
      %gt3A_67 = arith.cmpf ogt, %select_n3A_64, %gt3A_66 : vector<1x512xf32>
      %mul3A = arith.constant 2.000000e-01 : f32
      %mul3A_68 = vector.broadcast %mul3A : f32 to vector<1x512xf32>
      %mul3A_69 = arith.mulf %mul3A_68, %select_n3A_64 : vector<1x512xf32>
      %select_n3A_70 = arith.select %gt3A_67, %select_n3A_64, %mul3A_69 : vector<1x512xi1>, vector<1x512xf32>
      %exp3A_71 = math.exp %select_n3A_70 : vector<1x512xf32>
      %mul3A_72 = arith.mulf %exp3A_71, %get3A_50 : vector<1x512xf32>
      %add3A_73 = arith.addf %while3A_40, %mul3A_72 : vector<1x512xf32>
      %add3A_74 = arith.addf %while3A_41, %exp3A_71 : vector<1x512xf32>
      scf.yield %add3A_73, %add3A_74 : vector<1x512xf32>, vector<1x512xf32>
    }
    %add3A = arith.constant 1.000000e-16 : f32
    %add3A_22 = vector.broadcast %add3A : f32 to vector<1x512xf32>
    %add3A_23 = arith.addf %while3A_21#1, %add3A_22 : vector<1x512xf32>
    %div3A = arith.divf %while3A_21#0, %add3A_23 : vector<1x512xf32>
    %get3A_24 = arith.constant 0 : index
    %get3A_25 = arith.constant 0 : index
    %get3A_26 = vector.load %arg5[%get3A_24, %get3A_25] : memref<1x512xf32, #tpu.memory_space<vmem>>, vector<1x512xf32>
    %add3A_27 = arith.addf %div3A, %get3A_26 : vector<1x512xf32>
    %gt3A = arith.constant 0.000000e+00 : f32
    %gt3A_28 = vector.broadcast %gt3A : f32 to vector<1x512xf32>
    %gt3A_29 = arith.cmpf ogt, %add3A_27, %gt3A_28 : vector<1x512xf32>
    %min3A = arith.constant 0.000000e+00 : f32
    %min3A_30 = vector.broadcast %min3A : f32 to vector<1x512xf32>
    %min3A_31 = arith.minimumf %add3A_27, %min3A_30 : vector<1x512xf32>
    %exp3A = math.exp %min3A_31 : vector<1x512xf32>
    %sub3A = arith.constant 1.000000e+00 : f32
    %sub3A_32 = vector.broadcast %sub3A : f32 to vector<1x512xf32>
    %sub3A_33 = arith.subf %exp3A, %sub3A_32 : vector<1x512xf32>
    %select_n3A = arith.select %gt3A_29, %add3A_27, %sub3A_33 : vector<1x512xi1>, vector<1x512xf32>
    %swap3A = arith.constant 0 : index
    %swap3A_34 = arith.constant 0 : index
    %swap3A_35 = arith.constant 0 : index
    %swap3A_36 = vector.load %arg6[%swap3A, %swap3A_34, %swap3A_35] : memref<1x1x512xf32, #tpu.memory_space<vmem>>, vector<1x1x512xf32>
    %swap3A_37 = vector.shape_cast %swap3A_36 : vector<1x1x512xf32> to vector<1x512xf32>
    %swap3A_38 = vector.shape_cast %select_n3A : vector<1x512xf32> to vector<1x1x512xf32>
    tpu.vector_store %arg6[%swap3A, %swap3A_34, %swap3A_35], %swap3A_38 {strides = array<i32>} : memref<1x1x512xf32, #tpu.memory_space<vmem>>, vector<1x1x512xf32>,
    return
  }
  func.func @transform_0(%arg0: i32) -> (i32, i32, i32) {
    %c0_i32 = arith.constant 0 : i32
    %c0_i32_0 = arith.constant 0 : i32
    %c0_i32_1 = arith.constant 0 : i32
    return %arg0, %c0_i32, %c0_i32_0 : i32, i32, i32
  }
  func.func @transform_1(%arg0: i32) -> (i32, i32, i32) {
    %c0_i32 = arith.constant 0 : i32
    %c0_i32_0 = arith.constant 0 : i32
    %c0_i32_1 = arith.constant 0 : i32
    return %arg0, %c0_i32, %c0_i32_0 : i32, i32, i32
  }
  func.func @transform_2(%arg0: i32) -> (i32, i32, i32) {
    %c0_i32 = arith.constant 0 : i32
    %c0_i32_0 = arith.constant 0 : i32
    %c0_i32_1 = arith.constant 0 : i32
    %c0_i32_2 = arith.constant 0 : i32
    return %c0_i32, %c0_i32_0, %c0_i32_1 : i32, i32, i32
  }
  func.func @transform_3(%arg0: i32) -> (i32, i32, i32) {
    %c0_i32 = arith.constant 0 : i32
    %c0_i32_0 = arith.constant 0 : i32
    %c0_i32_1 = arith.constant 0 : i32
    %c0_i32_2 = arith.constant 0 : i32
    return %c0_i32, %c0_i32_0, %c0_i32_1 : i32, i32, i32
  }
  func.func @transform_4(%arg0: i32) -> (i32, i32) {
    %c0_i32 = arith.constant 0 : i32
    %c0_i32_0 = arith.constant 0 : i32
    %c0_i32_1 = arith.constant 0 : i32
    return %c0_i32, %c0_i32_0 : i32, i32
  }
  func.func @transform_5(%arg0: i32) -> (i32, i32, i32) {
    %c0_i32 = arith.constant 0 : i32
    %c0_i32_0 = arith.constant 0 : i32
    %c0_i32_1 = arith.constant 0 : i32
    return %arg0, %c0_i32, %c0_i32_0 : i32, i32, i32
  }
}

module attributes {stable_mosaic.version = 14 : i64} {
  func.func @_proj_body(%arg0: i32, %arg1: memref<400x512xf32, #tpu.memory_space<vmem>>, %arg2: memref<512x256xf32, #tpu.memory_space<vmem>>, %arg3: memref<256x2xf32, #tpu.memory_space<vmem>>, %arg4: memref<400x256xf32, #tpu.memory_space<vmem>>, %arg5: memref<400x2xf32, #tpu.memory_space<vmem>>) attributes {dimension_semantics = [#tpu.dimension_semantics<arbitrary>], iteration_bounds = array<i64: 25>, scalar_prefetch = 0 : i64, scratch_operands = 0 : i64, tpu.core_type = #tpu.core_type<tc>, window_params = [{transform_indices = @transform_0, window_bounds = array<i64: 400, 512>}, {pipeline_mode = #tpu.pipeline_mode<synchronous>, transform_indices = @transform_1, window_bounds = array<i64: 512, 256>}, {pipeline_mode = #tpu.pipeline_mode<synchronous>, transform_indices = @transform_2, window_bounds = array<i64: 256, 2>}, {transform_indices = @transform_3, window_bounds = array<i64: 400, 256>}, {transform_indices = @transform_4, window_bounds = array<i64: 400, 2>}]} {
    %get3A = arith.constant 0 : index
    %get3A_0 = arith.constant 0 : index
    %get3A_1 = vector.load %arg1[%get3A, %get3A_0] : memref<400x512xf32, #tpu.memory_space<vmem>>, vector<400x512xf32>
    %get3A_2 = arith.constant 0 : index
    %get3A_3 = arith.constant 0 : index
    %get3A_4 = vector.load %arg2[%get3A_2, %get3A_3] : memref<512x256xf32, #tpu.memory_space<vmem>>, vector<512x256xf32>
    %dot_general3A = arith.constant dense<0.000000e+00> : vector<400x256xf32>
    %dot_general3A_5 = tpu.matmul %get3A_1, %get3A_4, %dot_general3A {dimension_numbers = #tpu.dot_dimension_numbers<[1], [0], [0], [1], [0, 0, 1, 1], [], []>, transpose_lhs_hint = false} : vector<400x512xf32>, vector<512x256xf32>, vector<400x256xf32> -> vector<400x256xf32>
    %swap3A = arith.constant 0 : index
    %swap3A_6 = arith.constant 0 : index
    %swap3A_7 = vector.load %arg4[%swap3A, %swap3A_6] : memref<400x256xf32, #tpu.memory_space<vmem>>, vector<400x256xf32>
    tpu.vector_store %arg4[%swap3A, %swap3A_6], %dot_general3A_5 {strides = array<i32>} : memref<400x256xf32, #tpu.memory_space<vmem>>, vector<400x256xf32>,
    %get3A_8 = arith.constant 0 : index
    %get3A_9 = arith.constant 0 : index
    %get3A_10 = vector.load %arg3[%get3A_8, %get3A_9] : memref<256x2xf32, #tpu.memory_space<vmem>>, vector<256x2xf32>
    %dot_general3A_11 = arith.constant dense<0.000000e+00> : vector<400x2xf32>
    %dot_general3A_12 = tpu.matmul %dot_general3A_5, %get3A_10, %dot_general3A_11 {dimension_numbers = #tpu.dot_dimension_numbers<[1], [0], [0], [1], [0, 0, 1, 1], [], []>, transpose_lhs_hint = false} : vector<400x256xf32>, vector<256x2xf32>, vector<400x2xf32> -> vector<400x2xf32>
    %swap3A_13 = arith.constant 0 : index
    %swap3A_14 = arith.constant 0 : index
    %swap3A_15 = vector.load %arg5[%swap3A_13, %swap3A_14] : memref<400x2xf32, #tpu.memory_space<vmem>>, vector<400x2xf32>
    tpu.vector_store %arg5[%swap3A_13, %swap3A_14], %dot_general3A_12 {strides = array<i32>} : memref<400x2xf32, #tpu.memory_space<vmem>>, vector<400x2xf32>,
    return
  }
  func.func @transform_0(%arg0: i32) -> (i32, i32) {
    %c0_i32 = arith.constant 0 : i32
    %c0_i32_0 = arith.constant 0 : i32
    return %arg0, %c0_i32 : i32, i32
  }
  func.func @transform_1(%arg0: i32) -> (i32, i32) {
    %c0_i32 = arith.constant 0 : i32
    %c0_i32_0 = arith.constant 0 : i32
    %c0_i32_1 = arith.constant 0 : i32
    return %c0_i32, %c0_i32_0 : i32, i32
  }
  func.func @transform_2(%arg0: i32) -> (i32, i32) {
    %c0_i32 = arith.constant 0 : i32
    %c0_i32_0 = arith.constant 0 : i32
    %c0_i32_1 = arith.constant 0 : i32
    return %c0_i32, %c0_i32_0 : i32, i32
  }
  func.func @transform_3(%arg0: i32) -> (i32, i32) {
    %c0_i32 = arith.constant 0 : i32
    %c0_i32_0 = arith.constant 0 : i32
    return %arg0, %c0_i32 : i32, i32
  }
  func.func @transform_4(%arg0: i32) -> (i32, i32) {
    %c0_i32 = arith.constant 0 : i32
    %c0_i32_0 = arith.constant 0 : i32
    return %arg0, %c0_i32 : i32, i32
  }
}

module attributes {stable_mosaic.version = 14 : i64} {
  func.func @_edge2_body(%arg0: i32, %arg1: memref<1x1x192xi32, #tpu.memory_space<smem>>, %arg2: memref<1x1x1xi32, #tpu.memory_space<smem>>, %arg3: memref<10000x1x256xf32, #tpu.memory_space<vmem>>, %arg4: memref<10000x1x2xf32, #tpu.memory_space<vmem>>, %arg5: memref<1x256xf32, #tpu.memory_space<vmem>>, %arg6: memref<256x3xf32, #tpu.memory_space<vmem>>, %arg7: memref<1x3xf32, #tpu.memory_space<vmem>>, %arg8: memref<1x3xf32, #tpu.memory_space<vmem>>, %arg9: memref<1x256xf32, #tpu.memory_space<vmem>>) attributes {dimension_semantics = [#tpu.dimension_semantics<arbitrary>], iteration_bounds = array<i64: 10000>, scalar_prefetch = 0 : i64, scratch_operands = 1 : i64, tpu.core_type = #tpu.core_type<tc>, window_params = [{transform_indices = @transform_0, window_bounds = array<i64: 1, 1, 192>}, {transform_indices = @transform_1, window_bounds = array<i64: 1, 1, 1>}, {pipeline_mode = #tpu.pipeline_mode<synchronous>, transform_indices = @transform_2, window_bounds = array<i64: 10000, 1, 256>}, {pipeline_mode = #tpu.pipeline_mode<synchronous>, transform_indices = @transform_3, window_bounds = array<i64: 10000, 1, 2>}, {pipeline_mode = #tpu.pipeline_mode<synchronous>, transform_indices = @transform_4, window_bounds = array<i64: 1, 256>}, {pipeline_mode = #tpu.pipeline_mode<synchronous>, transform_indices = @transform_5, window_bounds = array<i64: 256, 3>}, {pipeline_mode = #tpu.pipeline_mode<synchronous>, transform_indices = @transform_6, window_bounds = array<i64: 1, 3>}, {pipeline_mode = #tpu.pipeline_mode<synchronous>, transform_indices = @transform_7, window_bounds = array<i64: 1, 3>}]} {
    %eq3A = arith.constant 0 : i32
    %eq3A_0 = arith.cmpi eq, %arg0, %eq3A : i32
    %convert_element_type3A = arith.extui %eq3A_0 : i1 to i32
    %cond3A = arith.constant 0 : i32
    %cond3A_1 = arith.cmpi ne, %convert_element_type3A, %cond3A : i32
    scf.if %cond3A_1 {
      %broadcast_in_dim3A_49 = arith.constant 0.000000e+00 : f32
      %broadcast_in_dim3A_50 = vector.broadcast %broadcast_in_dim3A_49 : f32 to vector<1x256xf32>
      %swap3A_51 = arith.constant 0 : index
      %swap3A_52 = arith.constant 0 : index
      %swap3A_53 = vector.load %arg9[%swap3A_51, %swap3A_52] : memref<1x256xf32, #tpu.memory_space<vmem>>, vector<1x256xf32>
      tpu.vector_store %arg9[%swap3A_51, %swap3A_52], %broadcast_in_dim3A_50 {strides = array<i32>} : memref<1x256xf32, #tpu.memory_space<vmem>>, vector<1x256xf32>,
    } else {
    }
    %get3A = arith.constant 0 : index
    %get3A_2 = arith.constant 0 : index
    %get3A_3 = arith.constant 0 : index
    %get3A_4 = memref.load %arg2[%get3A, %get3A_2, %get3A_3] : memref<1x1x1xi32, #tpu.memory_space<smem>>
    %get3A_5 = arith.index_cast %arg0 : i32 to index
    %get3A_6 = arith.constant 0 : index
    %get3A_7 = arith.constant 0 : index
    %get3A_8 = vector.load %arg4[%get3A_5, %get3A_6, %get3A_7] : memref<10000x1x2xf32, #tpu.memory_space<vmem>>, vector<1x1x2xf32>
    %get3A_9 = vector.shape_cast %get3A_8 : vector<1x1x2xf32> to vector<1x2xf32>
    %slice3A = vector.extract_strided_slice %get3A_9 {offsets = [0, 1], sizes = [1, 1], strides = [1, 1]} : vector<1x2xf32> to vector<1x1xf32>
    %broadcast_in_dim3A = arith.constant 0.000000e+00 : f32
    %broadcast_in_dim3A_10 = vector.broadcast %broadcast_in_dim3A : f32 to vector<1x256xf32>
    %broadcast_in_dim3A_11 = arith.constant 0.000000e+00 : f32
    %broadcast_in_dim3A_12 = vector.broadcast %broadcast_in_dim3A_11 : f32 to vector<1x1xf32>
    %while3A = arith.constant 0 : i32
    %while3A_13 = arith.subi %get3A_4, %while3A : i32
    %while3A_14 = arith.addi %while3A, %while3A_13 : i32
    %while3A_15 = arith.constant 1 : i32
    %while3A_16 = arith.divsi %while3A_13, %while3A_15 : i32
    %while3A_17 = arith.muli %while3A_16, %while3A_15 : i32
    %while3A_18 = arith.addi %while3A, %while3A_17 : i32
    %while3A_19 = arith.constant 1 : i32
    %while3A_20:2 = scf.for %while3A_49 = %while3A to %while3A_18 step %while3A_19 iter_args(%while3A_50 = %broadcast_in_dim3A_10, %while3A_51 = %broadcast_in_dim3A_12) -> (vector<1x256xf32>, vector<1x1xf32>)  : i32 {
      %get3A_52 = arith.constant 0 : index
      %get3A_53 = arith.constant 0 : index
      %get3A_54 = arith.index_cast %while3A_49 : i32 to index
      %get3A_55 = memref.load %arg1[%get3A_52, %get3A_53, %get3A_54] : memref<1x1x192xi32, #tpu.memory_space<smem>>
      %get3A_56 = arith.index_cast %get3A_55 : i32 to index
      %get3A_57 = arith.constant 0 : index
      %get3A_58 = arith.constant 0 : index
      %get3A_59 = vector.load %arg3[%get3A_56, %get3A_57, %get3A_58] : memref<10000x1x256xf32, #tpu.memory_space<vmem>>, vector<1x1x256xf32>
      %get3A_60 = vector.shape_cast %get3A_59 : vector<1x1x256xf32> to vector<1x256xf32>
      %get3A_61 = arith.index_cast %get3A_55 : i32 to index
      %get3A_62 = arith.constant 0 : index
      %get3A_63 = arith.constant 0 : index
      %get3A_64 = vector.load %arg4[%get3A_61, %get3A_62, %get3A_63] : memref<10000x1x2xf32, #tpu.memory_space<vmem>>, vector<1x1x2xf32>
      %get3A_65 = vector.shape_cast %get3A_64 : vector<1x1x2xf32> to vector<1x2xf32>
      %slice3A_66 = vector.extract_strided_slice %get3A_65 {offsets = [0, 0], sizes = [1, 1], strides = [1, 1]} : vector<1x2xf32> to vector<1x1xf32>
      %add3A_67 = arith.addf %slice3A_66, %slice3A : vector<1x1xf32>
      %gt3A_68 = arith.constant 0.000000e+00 : f32
      %gt3A_69 = vector.broadcast %gt3A_68 : f32 to vector<1x1xf32>
      %gt3A_70 = arith.cmpf ogt, %add3A_67, %gt3A_69 : vector<1x1xf32>
      %mul3A_71 = arith.constant 2.000000e-01 : f32
      %mul3A_72 = vector.broadcast %mul3A_71 : f32 to vector<1x1xf32>
      %mul3A_73 = arith.mulf %mul3A_72, %add3A_67 : vector<1x1xf32>
      %select_n3A_74 = arith.select %gt3A_70, %add3A_67, %mul3A_73 : vector<1x1xi1>, vector<1x1xf32>
      %exp3A_75 = math.exp %select_n3A_74 : vector<1x1xf32>
      %mul3A_76 = vector.broadcast %exp3A_75 : vector<1x1xf32> to vector<1x256xf32>
      %mul3A_77 = arith.mulf %mul3A_76, %get3A_60 : vector<1x256xf32>
      %add3A_78 = arith.addf %while3A_50, %mul3A_77 : vector<1x256xf32>
      %add3A_79 = arith.addf %while3A_51, %exp3A_75 : vector<1x1xf32>
      scf.yield %add3A_78, %add3A_79 : vector<1x256xf32>, vector<1x1xf32>
    }
    %while3A_21 = arith.constant 1 : i32
    %while3A_22:2 = scf.for %while3A_49 = %while3A_18 to %while3A_14 step %while3A_21 iter_args(%while3A_50 = %while3A_20#0, %while3A_51 = %while3A_20#1) -> (vector<1x256xf32>, vector<1x1xf32>)  : i32 {
      %get3A_52 = arith.constant 0 : index
      %get3A_53 = arith.constant 0 : index
      %get3A_54 = arith.index_cast %while3A_49 : i32 to index
      %get3A_55 = memref.load %arg1[%get3A_52, %get3A_53, %get3A_54] : memref<1x1x192xi32, #tpu.memory_space<smem>>
      %get3A_56 = arith.index_cast %get3A_55 : i32 to index
      %get3A_57 = arith.constant 0 : index
      %get3A_58 = arith.constant 0 : index
      %get3A_59 = vector.load %arg3[%get3A_56, %get3A_57, %get3A_58] : memref<10000x1x256xf32, #tpu.memory_space<vmem>>, vector<1x1x256xf32>
      %get3A_60 = vector.shape_cast %get3A_59 : vector<1x1x256xf32> to vector<1x256xf32>
      %get3A_61 = arith.index_cast %get3A_55 : i32 to index
      %get3A_62 = arith.constant 0 : index
      %get3A_63 = arith.constant 0 : index
      %get3A_64 = vector.load %arg4[%get3A_61, %get3A_62, %get3A_63] : memref<10000x1x2xf32, #tpu.memory_space<vmem>>, vector<1x1x2xf32>
      %get3A_65 = vector.shape_cast %get3A_64 : vector<1x1x2xf32> to vector<1x2xf32>
      %slice3A_66 = vector.extract_strided_slice %get3A_65 {offsets = [0, 0], sizes = [1, 1], strides = [1, 1]} : vector<1x2xf32> to vector<1x1xf32>
      %add3A_67 = arith.addf %slice3A_66, %slice3A : vector<1x1xf32>
      %gt3A_68 = arith.constant 0.000000e+00 : f32
      %gt3A_69 = vector.broadcast %gt3A_68 : f32 to vector<1x1xf32>
      %gt3A_70 = arith.cmpf ogt, %add3A_67, %gt3A_69 : vector<1x1xf32>
      %mul3A_71 = arith.constant 2.000000e-01 : f32
      %mul3A_72 = vector.broadcast %mul3A_71 : f32 to vector<1x1xf32>
      %mul3A_73 = arith.mulf %mul3A_72, %add3A_67 : vector<1x1xf32>
      %select_n3A_74 = arith.select %gt3A_70, %add3A_67, %mul3A_73 : vector<1x1xi1>, vector<1x1xf32>
      %exp3A_75 = math.exp %select_n3A_74 : vector<1x1xf32>
      %mul3A_76 = vector.broadcast %exp3A_75 : vector<1x1xf32> to vector<1x256xf32>
      %mul3A_77 = arith.mulf %mul3A_76, %get3A_60 : vector<1x256xf32>
      %add3A_78 = arith.addf %while3A_50, %mul3A_77 : vector<1x256xf32>
      %add3A_79 = arith.addf %while3A_51, %exp3A_75 : vector<1x1xf32>
      scf.yield %add3A_78, %add3A_79 : vector<1x256xf32>, vector<1x1xf32>
    }
    %add3A = arith.constant 1.000000e-16 : f32
    %add3A_23 = vector.broadcast %add3A : f32 to vector<1x1xf32>
    %add3A_24 = arith.addf %while3A_22#1, %add3A_23 : vector<1x1xf32>
    %div3A = vector.broadcast %add3A_24 : vector<1x1xf32> to vector<1x256xf32>
    %div3A_25 = arith.divf %while3A_22#0, %div3A : vector<1x256xf32>
    %get3A_26 = arith.constant 0 : index
    %get3A_27 = arith.constant 0 : index
    %get3A_28 = vector.load %arg5[%get3A_26, %get3A_27] : memref<1x256xf32, #tpu.memory_space<vmem>>, vector<1x256xf32>
    %add3A_29 = arith.addf %div3A_25, %get3A_28 : vector<1x256xf32>
    %gt3A = arith.constant 0.000000e+00 : f32
    %gt3A_30 = vector.broadcast %gt3A : f32 to vector<1x256xf32>
    %gt3A_31 = arith.cmpf ogt, %add3A_29, %gt3A_30 : vector<1x256xf32>
    %min3A = arith.constant 0.000000e+00 : f32
    %min3A_32 = vector.broadcast %min3A : f32 to vector<1x256xf32>
    %min3A_33 = arith.minimumf %add3A_29, %min3A_32 : vector<1x256xf32>
    %exp3A = math.exp %min3A_33 : vector<1x256xf32>
    %sub3A = arith.constant 1.000000e+00 : f32
    %sub3A_34 = vector.broadcast %sub3A : f32 to vector<1x256xf32>
    %sub3A_35 = arith.subf %exp3A, %sub3A_34 : vector<1x256xf32>
    %select_n3A = arith.select %gt3A_31, %add3A_29, %sub3A_35 : vector<1x256xi1>, vector<1x256xf32>
    %get3A_36 = arith.constant 0 : index
    %get3A_37 = arith.constant 0 : index
    %get3A_38 = vector.load %arg9[%get3A_36, %get3A_37] : memref<1x256xf32, #tpu.memory_space<vmem>>, vector<1x256xf32>
    %mul3A = arith.constant 9.99999974E-5 : f32
    %mul3A_39 = vector.broadcast %mul3A : f32 to vector<1x256xf32>
    %mul3A_40 = arith.mulf %select_n3A, %mul3A_39 : vector<1x256xf32>
    %add3A_41 = arith.addf %get3A_38, %mul3A_40 : vector<1x256xf32>
    %swap3A = arith.constant 0 : index
    %swap3A_42 = arith.constant 0 : index
    %swap3A_43 = vector.load %arg9[%swap3A, %swap3A_42] : memref<1x256xf32, #tpu.memory_space<vmem>>, vector<1x256xf32>
    tpu.vector_store %arg9[%swap3A, %swap3A_42], %add3A_41 {strides = array<i32>} : memref<1x256xf32, #tpu.memory_space<vmem>>, vector<1x256xf32>,
    %eq3A_44 = arith.constant 9999 : i32
    %eq3A_45 = arith.cmpi eq, %arg0, %eq3A_44 : i32
    %convert_element_type3A_46 = arith.extui %eq3A_45 : i1 to i32
    %cond3A_47 = arith.constant 0 : i32
    %cond3A_48 = arith.cmpi ne, %convert_element_type3A_46, %cond3A_47 : i32
    scf.if %cond3A_48 {
      %get3A_49 = arith.constant 0 : index
      %get3A_50 = arith.constant 0 : index
      %get3A_51 = vector.load %arg9[%get3A_49, %get3A_50] : memref<1x256xf32, #tpu.memory_space<vmem>>, vector<1x256xf32>
      %get3A_52 = arith.constant 0 : index
      %get3A_53 = arith.constant 0 : index
      %get3A_54 = vector.load %arg6[%get3A_52, %get3A_53] : memref<256x3xf32, #tpu.memory_space<vmem>>, vector<256x3xf32>
      %dot_general3A = arith.constant dense<0.000000e+00> : vector<1x3xf32>
      %dot_general3A_55 = tpu.matmul %get3A_51, %get3A_54, %dot_general3A {dimension_numbers = #tpu.dot_dimension_numbers<[1], [0], [0], [1], [0, 0, 1, 1], [], []>, transpose_lhs_hint = false} : vector<1x256xf32>, vector<256x3xf32>, vector<1x3xf32> -> vector<1x3xf32>
      %get3A_56 = arith.constant 0 : index
      %get3A_57 = arith.constant 0 : index
      %get3A_58 = vector.load %arg7[%get3A_56, %get3A_57] : memref<1x3xf32, #tpu.memory_space<vmem>>, vector<1x3xf32>
      %add3A_59 = arith.addf %dot_general3A_55, %get3A_58 : vector<1x3xf32>
      %swap3A_60 = arith.constant 0 : index
      %swap3A_61 = arith.constant 0 : index
      %swap3A_62 = vector.load %arg8[%swap3A_60, %swap3A_61] : memref<1x3xf32, #tpu.memory_space<vmem>>, vector<1x3xf32>
      tpu.vector_store %arg8[%swap3A_60, %swap3A_61], %add3A_59 {strides = array<i32>} : memref<1x3xf32, #tpu.memory_space<vmem>>, vector<1x3xf32>,
    } else {
    }
    return
  }
  func.func @transform_0(%arg0: i32) -> (i32, i32, i32) {
    %c0_i32 = arith.constant 0 : i32
    %c0_i32_0 = arith.constant 0 : i32
    %c0_i32_1 = arith.constant 0 : i32
    return %arg0, %c0_i32, %c0_i32_0 : i32, i32, i32
  }
  func.func @transform_1(%arg0: i32) -> (i32, i32, i32) {
    %c0_i32 = arith.constant 0 : i32
    %c0_i32_0 = arith.constant 0 : i32
    %c0_i32_1 = arith.constant 0 : i32
    return %arg0, %c0_i32, %c0_i32_0 : i32, i32, i32
  }
  func.func @transform_2(%arg0: i32) -> (i32, i32, i32) {
    %c0_i32 = arith.constant 0 : i32
    %c0_i32_0 = arith.constant 0 : i32
    %c0_i32_1 = arith.constant 0 : i32
    %c0_i32_2 = arith.constant 0 : i32
    return %c0_i32, %c0_i32_0, %c0_i32_1 : i32, i32, i32
  }
  func.func @transform_3(%arg0: i32) -> (i32, i32, i32) {
    %c0_i32 = arith.constant 0 : i32
    %c0_i32_0 = arith.constant 0 : i32
    %c0_i32_1 = arith.constant 0 : i32
    %c0_i32_2 = arith.constant 0 : i32
    return %c0_i32, %c0_i32_0, %c0_i32_1 : i32, i32, i32
  }
  func.func @transform_4(%arg0: i32) -> (i32, i32) {
    %c0_i32 = arith.constant 0 : i32
    %c0_i32_0 = arith.constant 0 : i32
    %c0_i32_1 = arith.constant 0 : i32
    return %c0_i32, %c0_i32_0 : i32, i32
  }
  func.func @transform_5(%arg0: i32) -> (i32, i32) {
    %c0_i32 = arith.constant 0 : i32
    %c0_i32_0 = arith.constant 0 : i32
    %c0_i32_1 = arith.constant 0 : i32
    return %c0_i32, %c0_i32_0 : i32, i32
  }
  func.func @transform_6(%arg0: i32) -> (i32, i32) {
    %c0_i32 = arith.constant 0 : i32
    %c0_i32_0 = arith.constant 0 : i32
    %c0_i32_1 = arith.constant 0 : i32
    return %c0_i32, %c0_i32_0 : i32, i32
  }
  func.func @transform_7(%arg0: i32) -> (i32, i32) {
    %c0_i32 = arith.constant 0 : i32
    %c0_i32_0 = arith.constant 0 : i32
    %c0_i32_1 = arith.constant 0 : i32
    return %c0_i32, %c0_i32_0 : i32, i32
  }
}

</mosaic_0001>

<sc_bundles>
// kernel: gather_offload_async_start.1
scs
__scs_entry_jumppad:
0x0: {  	(pc) =	sbr.rel $0x88, $3  }
0x1: {  	(tag) =	ssettag $0x0;
	lr =	simm.s32 $0x1  }
0x2: {  	[smem:$0x3F95] =	sst lr;
	_ =	strace $0xD0000000  }
0x3: {  	_ = 	snop  }
0x4: {  	_ = 	snop  }
0x5: {  	_ = 	snop  }
0x6: {  	_ = 	snop  }
0x7: {  	_ = 	snop  }
__scs_overlays_trampoline_lowered:
0x8: {  	[smem:$0x3FA4] =	sst s0  }
0x9: {  	[smem:$0x3FA5] =	sst s1  }
0xa: {  	[smem:$0x3FA6] =	sst s2  }
0xb: {  	[smem:$0x3FA7] =	sst s3  }
0xc: {  	[smem:$0x3FA8] =	sst s4  }
0xd: {  	[smem:$0x3FA9] =	sst s5  }
0xe: {  	[smem:$0x3FAA] =	sst s6  }
0xf: {  	[smem:$0x3FAB] =	sst s7  }
0x10: {  	[smem:$0x3FAC] =	sst s8  }
0x11: {  	[smem:$0x3FAD] =	sst s9;
	s0 =	simm.s32 @!p0 $0x0  }
0x12: {  	s1 =	sld [smem:$0x3F93];
	s0 =	simm.s32 @p0 $0x1  }
0x13: {  	[smem:$0x3FAE] =	sst s0;
	s0 =	simm.s32 @!p1 $0x0  }
0x14: {  	s2 =	sld [smem:$0x3F92];
	s0 =	simm.s32 @p1 $0x1  }
0x15: {  	[smem:$0x3FAF] =	sst s0;
	s0 =	simm.s32 @!p2 $0x0  }
0x16: {  	s3 =	sld [smem:$0x3FDB];
	s0 =	simm.s32 @p2 $0x1  }
0x17: {  	s4 =	simm.s32 $0x1BF5;
	[smem:$0x3FB1] =	sst s0  }
0x18: {  	s0 =	sld [smem:$0x3F94];
	_ =	swait.ge [sflag:s4], $0x0  }
0x19: {  	s7 =	sld [smem:$0x3F95]  }
0x1a: {  	s8 =	sadd.s32 $0xFFFFE003, lr  }
0x1b: {  	s9 =	sadd.s32 $0xFFFFFEF7, lr;
	s5 =	simm.s32 $0xFFFFFFFF;
	p2 =	slt.u32 s8, $0xFFFFF086  }
0x1c: {  	p1 =	slt.u32 s9, $0xF7A;
	s5 =	simm.s32 @!p2 $0x0  }
0x1d: {  	s5 =	simm.s32 @p1 $0x1;
	p0 =	seq.s32 s7, s2  }
0x1e: {  	s7 =	smul.u32 @!p0 $0xF7A, s2;
	p2 =	seq.s32 @!p0 s5, $0x0  }
0x1f: {  	s9 =	smul.u32 $0xF7A, s1;
	s8 =	simm.s32 @!p0 $0x1BF5;
	p2 =	por !p2, p0  }
0x20: {  	[sflag:s8] =	ssyncset.s32 @!p0 $0xFFFFF086;
	s6 =	sadd.s32 @!p0 s3, s7;
	s7 =	simm.s32 @!p0 $0x108  }
0x21: {  	s3 =	sadd.s32 s3, s9;
	s6 =	sadd.s32 @!p0 $0x88, s6;
	s7 =	simm.s32 @p2 $0x1082  }
0x22: {  	[simem:s7], [sflag:s8] =	dma.local @!p0 [hbm:s6], $0xF7A  }
0x23: {  	s9 =	sor.u32 $0xD0000000, s2;
	s6 =	simm.s32 $0x108;
	_ =	swait.ge @!p0 [sflag:s8], $0x0  }
0x24: {  	s3 =	sadd.s32 $0x88, s3;
	s6 =	simm.s32 @!p1 $0x1082;
	[sflag:s4] =	ssyncset.s32 $0xFFFFF086  }
0x25: {  	[simem:s6], [sflag:s4] =	dma.local [hbm:s3], $0xF7A  }
0x26: {  	[smem:$0x3F95] =	sst s1;
	(tag) =	ssettag s2;
	_ =	strace s9  }
0x27: {  	s1 =	sld [smem:$0x3FA5]  }
0x28: {  	s2 =	sld [smem:$0x3FA6]  }
0x29: {  	s4 =	sld [smem:$0x3FA8]  }
0x2a: {  	p0 =	seq.s32 s5, $0x0;
	s5 =	sld [smem:$0x3FA9]  }
0x2b: {  	s6 =	sld [smem:$0x3FAA]  }
0x2c: {  	s7 =	sld [smem:$0x3FAB]  }
0x2d: {  	s3 =	simm.s32 $0x108;
	s8 =	sld [smem:$0x3FAC]  }
0x2e: {  	s3 =	simm.s32 @!p0 $0x1082;
	s9 =	sld [smem:$0x3FAD]  }
0x2f: {  	lr =	sadd.s32 s0, s3;
	s0 =	sld [smem:$0x3FA4]  }
0x30: {  	s3 =	sld [smem:$0x3FA7]  }
0x31: {  	[smem:$0x3FB0] =	sst s10  }
0x32: {  	s10 =	sld [smem:$0x3FAE];
	_ =	sdelay $0x3  }
0x33: {  	p0 =	seq.s32 s10, $0x1;
	s10 =	sld [smem:$0x3FB0];
	_ =	sdelay $0x3  }
0x34: {  	[smem:$0x3FB0] =	sst s10  }
0x35: {  	s10 =	sld [smem:$0x3FAF];
	_ =	sdelay $0x3  }
0x36: {  	p1 =	seq.s32 s10, $0x1;
	s10 =	sld [smem:$0x3FB0];
	_ =	sdelay $0x3  }
0x37: {  	[smem:$0x3FB0] =	sst s10  }
0x38: {  	s10 =	sld [smem:$0x3FB1]  }
0x39: {  	_ = 	snop;
	(pc) =	sbr.ind lr, $3  }
0x3a: {  	_ = 	snop  }
0x3b: {  	_ = 	snop  }
0x3c: {  	p2 =	seq.s32 s10, $0x1;
	s10 =	sld [smem:$0x3FB0]  }
0x3d: {  	_ =	shalt  }
0x3e: {  	_ =	shalt  }
0x3f: {  	_ =	shalt  }
0x40: {  	_ =	shalt  }
0x41: {  	_ =	shalt  }
0x42: {  	_ =	shalt  }
0x43: {  	_ =	shalt  }
0x44: {  	_ =	shalt  }
0x45: {  	_ =	shalt  }
0x46: {  	_ =	shalt  }
0x47: {  	_ =	shalt  }
0x48: {  	_ =	shalt  }
0x49: {  	_ =	shalt  }
0x4a: {  	_ =	shalt  }
0x4b: {  	_ =	shalt  }
0x4c: {  	_ =	shalt  }
0x4d: {  	_ =	shalt  }
0x4e: {  	_ =	shalt  }
0x4f: {  	_ =	shalt  }
0x50: {  	_ =	shalt  }
0x51: {  	_ =	shalt  }
0x52: {  	_ =	shalt  }
0x53: {  	_ =	shalt  }
0x54: {  	_ =	shalt  }
0x55: {  	_ =	shalt  }
0x56: {  	_ =	shalt  }
0x57: {  	_ =	shalt  }
0x58: {  	_ =	shalt  }
0x59: {  	_ =	shalt  }
0x5a: {  	_ =	shalt  }
0x5b: {  	_ =	shalt  }
0x5c: {  	_ =	shalt  }
0x5d: {  	_ =	shalt  }
0x5e: {  	_ =	shalt  }
0x5f: {  	_ =	shalt  }
0x60: {  	_ =	shalt  }
0x61: {  	_ =	shalt  }
0x62: {  	_ =	shalt  }
0x63: {  	_ =	shalt  }
0x64: {  	_ =	shalt  }
0x65: {  	_ =	shalt  }
0x66: {  	_ =	shalt  }
0x67: {  	_ =	shalt  }
0x68: {  	_ =	shalt  }
0x69: {  	_ =	shalt  }
0x6a: {  	_ =	shalt  }
0x6b: {  	_ =	shalt  }
0x6c: {  	_ =	shalt  }
0x6d: {  	_ =	shalt  }
0x6e: {  	_ =	shalt  }
0x6f: {  	_ =	shalt  }
0x70: {  	_ =	shalt  }
0x71: {  	_ =	shalt  }
0x72: {  	_ =	shalt  }
0x73: {  	_ =	shalt  }
0x74: {  	_ =	shalt  }
0x75: {  	_ =	shalt  }
0x76: {  	_ =	shalt  }
0x77: {  	_ =	shalt  }
0x78: {  	_ =	shalt  }
0x79: {  	_ =	shalt  }
0x7a: {  	_ =	shalt  }
0x7b: {  	_ =	shalt  }
0x7c: {  	_ =	shalt  }
0x7d: {  	_ =	shalt  }
0x7e: {  	_ =	shalt  }
0x7f: {  	_ =	shalt  }
0x80: {  	_ =	shalt  }
0x81: {  	_ =	shalt  }
0x82: {  	_ =	shalt  }
0x83: {  	_ =	shalt  }
0x84: {  	_ =	shalt  }
0x85: {  	_ =	shalt  }
0x86: {  	_ =	shalt  }
0x87: {  	_ =	shalt  }
.Lfunc_end0:
.L_simem_size_0:
called_computation.1_lowered:
.L_overlay_start_0:
0x88: {  	s0 =	sld [smem:$0x3FD9]  }
0x89: {  	s1 =	sld [smem:$0x3FFE];
	_ =	sdelay $0x3  }
0x8a: {  	s0 =	sadd.s32 s1, s0  }
0x8b: {  	[smem:$0x3FBC] =	sst s0  }
0x8c: {  	_ = 	snop  }
0x8d: {  	(tm) =	ssettm $0x1  }
0x8e: {  	s15 =	sld [smem:$0x3FFB];
	_ =	sdelay $0x3  }
0x8f: {  	_ =	strace s15  }
0x90: {  	s0 =	sld [smem:$0x3FFC];
	_ =	sdelay $0x3  }
0x91: {  	_ =	strace s0  }
0x92: {  	s0 =	sld [smem:$0x3FFD];
	_ =	sdelay $0x3  }
0x93: {  	_ =	strace s0  }
0x94: {  	_ =	strace $0x8FFFFFFF  }
0x95: {  	s16 =	sld [smem:$0x3FDB];
	_ =	sdelay $0x1  }
0x96: {  	s17 =	simm.s32 $_scs_section_size  }
0x97: {  	s2 =	simm.s32 $_size__tile_overlayer_lowered;
	s3 =	simm.s32 $_tile_overlayer_lowered  }
0x98: {  	s20 =	simm.s32 $0x1BFF;
	s19 =	sshll.u32 s3, $0x1;
	s0 =	sadd.s32 s17, s16  }
0x99: {  	s4 =	simm.s32 $0x0;
	s18 =	sshll.u32 s2, $0x1;
	s2 =	sadd.s32 s19, s0  }
0x9a: {  	[timem:s4], [sflag:s20] =	dma.local [hbm:s2], s18  }
0x9b: {  	_ =	swait.ge [sflag:s20], s18  }
0x9c: {  	s1 =	ssub.s32 $0x0, s18;
	[sflag:s20] =	ssyncset.done $0x0  }
0x9d: {  	[sflag:s20] =	ssyncadd.s32 s1;
	_ =	sdelay $0x1  }
0x9e: {  	s21 =	simm.s32 $0x1B8B  }
0x9f: {  	_ =	swait.ge [sflag:s21], $0x1  }
0xa0: {  	[sflag:s21] =	ssyncset.done $0x0  }
0xa1: {  	s23 =	simm.s32 $0x1B8E;
	s22 =	sld [smem:$0x3FFE];
	[sflag:s21] =	ssyncadd.s32 $0xFFFFFFFF  }
0xa2: {  	s24 =	simm.s32 $execute0_lowered;
	[smem:$0x3FD2] =	sst s23  }
0xa3: {  	s2 =	sshll.u32 s24, $0x1;
	_ =	strace $0x80000046;
	[dreg:$0x1] =	wrdreg $0xFFFFFFFF  }
0xa4: {  	s25 =	simm.s32 $_size_execute0_lowered;
	s0 =	sadd.s32 s0, s2;
	[dreg:$0x0] =	wrdreg $0x0  }
0xa5: {  	s2 =	sshll.u32 s25, $0x1;
	[dreg:$0x2] =	wrdreg s0  }
0xa6: {  	[dreg:$0x3] =	wrdreg s2  }
0xa7: {  	[dreg:$0x4] =	wrdreg $0xC0  }
0xa8: {  	_ =	task [dreg:s4], $0x5FFFF  }
0xa9: {  	[dreg:$0x1] =	wrdreg $0xFFFFFFFF  }
0xaa: {  	[dreg:$0x0] =	wrdreg $0x60  }
0xab: {  	[dreg:$0x2] =	wrdreg s22  }
0xac: {  	[dreg:$0x3] =	wrdreg $0xA  }
0xad: {  	_ =	task.clear_ibuf [dreg:s4], $0x4FFFF;
	_ =	strace $0x90000046  }
0xae: {  	s26 =	simm.s32 $0xA;
	_ =	strace $0x80000048  }
0xaf: {  	_ =	swait.ge [sflag:s26], $0x1  }
0xb0: {  	[sflag:s26] =	ssyncadd.s32 $0xFFFFFFFF  }
0xb1: {  	_ =	strace $0x90000048  }
0xb2: {  	_ =	sfence  }
0xb3: {  	s28 =	sld [smem:$0x0];
	_ =	sdelay $0x1  }
0xb4: {  	s29 =	srdreg.scid  }
0xb5: {  	s30 =	sshll.u32 s29, $0xD;
	s31 =	sshrl.u32 s29, $0x2  }
0xb6: {  	s1 =	sand.u32 $0x1, s29;
	s2 =	sand.u32 $0x4000, s30;
	s0 =	sadd.s32 s31, s28  }
0xb7: {  	s1 =	sor.u32 s2, s1;
	s0 =	sshll.u32 s0, $0x11  }
0xb8: {  	s0 =	sor.u32 s0, s1  }
0xb9: {  	s0 =	sadd.s32 $0x8F2B, s0  }
0xba: {  	[sflag:s0] =	ssyncadd.remote.s32 $0x1  }
0xbb: {  	_ =	sfence.sel $0xFFFF  }
0xbc: {  	[dreg:$0x0] =	wrdreg $0xFFFFFFFF;
	(pc) =	sbr.abs _section_cstart, $3  }
0xbd: {  	[dreg:$0x1] =	wrdreg $0xFFFFFFFF  }
0xbe: {  	_ =	task.clear_ibuf [dreg:s4], $0x2FFFF;
	_ =	strace $0x9FFFFFFF  }
0xbf: {  	(tm) =	ssettm $0x7FFFFFFF  }
tec
execute0_lowered:
.L_overlay_start_1:
0x0: {  	(tag) =	ssettag $0x1  }
0x1: {  	s8 =	rddreg [dreg:$0x0]  }
0x2: {  	s0 =	rddreg [dreg:$0x1];
	_ =	strace $0x80000047  }
0x3: {  	s4 =	simm.s32 $0x1;
	s1 =	stileid.u32;
	s7 =	simm.s32 $0x1  }
0x4: {  	s9 =	simm.s32 $0x1;
	s6 =	simm.s32 $0x2;
	s10 =	simm.s32 $0x3  }
0x5: {  	s13 =	simm.s32 $0x0;
	s12 =	simm.s32 $0x0;
	s2 =	sadd.s32 $0x5200, s8  }
.Ltmp0:
0x6: {  	s3 =	sadd.s32 $0x40C00, s8;
	p0 =	slt.u32 s1, $0xA;
	(pc) =	sbr.rel .LBB2_1-.Ltmp0, $4  }
0x7: {  	[sflag:s4] =	ssyncpa.u1 $0x0;
	s7 =	simm.s32 @!p0 $0x0;
	p0 =	sne.s32 s1, $0x9  }
0x8: {  	s5 =	smul.u32 $0x6590, s1;
	[sflag:s6] =	ssyncpa.u1 $0x0;
	s9 =	simm.s32 @!p0 $0x0  }
0x9: {  	s8 =	sadd.s32 $0x55A00, s8;
	[sflag:s10] =	ssyncpa.u1 $0x0;
	s7 =	sadd.s32 s9, s7  }
0xa: {  	vm0 =	vmmov $0xffff;
	s10 =	simm.s32 $0x0;
	s11 =	smov.u32 s5;
	s9 =	sadd.s32 $0x1, s7  }
.LBB2_4:
0xb: {  	v2 =	vnsel vm1, $0x0, v2  }
0xc: {  	vm1 =	vgt.s32 v0, $0x0;
	v2 =	vmin.u32 v2, $0x9EB0F  }
0xd: {  	v0 =	vnsel vm1, $0x0, v0  }
0xe: {  	v0 =	vmin.u32 v0, $0x9EB0F  }
0xf: {  	[tilespmem:s18], [sflag:$0x1] =	stream.indirect_vreg.gather [hbm4b:s2+s10], $0x1, v1, vm0, $0x4038;
	[tilespmem:$0x19640] =	vst v63  }
0x10: {  	(ifvalue) =	ssetifvalue $0x7FFFFFFF  }
0x11: {  	[tilespmem:s15], [sflag:$0x1] =	stream.indirect_vreg.gather [hbm4b:s2+s10], $0x1, v2, vm0, $0x4038;
	[tilespmem:$0x19640] =	vst v63  }
0x12: {  	s29 =	sadd.s32 $0x10, s15;
	(ifvalue) =	ssetifvalue $0x7FFFFFFF  }
0x13: {  	[tilespmem:s29], [sflag:$0x1] =	stream.indirect_vreg.gather [hbm4b:s2+s10], $0x1, v0, vm0, $0x4038;
	[tilespmem:$0x19640] =	vst v63  }
0x14: {  	_ =	swait.ge [sflag:s4], $0x6590  }
0x15: {  	s30 =	sshrl.u32 s13, $0x3;
	[sflag:s4] =	ssyncset.done $0x0  }
0x16: {  	s31 =	sand.u32 $0x7, s13;
	s15 =	sadd.s32 s8, s30;
	[sflag:s4] =	ssyncadd.s32 $0xFFFF9A70  }
0x17: {  	[hbm4b:s15+s31] =	stream.linear.scatter [tilespmem:s14], [sflag:$0x3], $0x6590, $0x38;
	[tilespmem:$0x19640] =	vst v63  }
.LBB2_5:
0x18: {  	s15 =	sadd.s32 $0x65900, s11  }
0x19: {  	p1 =	sgt.s32 s15, $0x9EB0F  }
0x1a: {  	s15 =	smov.u32 @p1 s5;
	p1 =	sne.s32 s12, s9  }
.Ltmp1:
0x1b: {  	p0 =	slt.u32 s12, $0x2;
	(pc) =	sbr.rel @!p1 .LBB2_6-.Ltmp1, $4  }
0x1c: {  	s14 =	simm.s32 @!p0 $0x3  }
0x1d: {  	_ =	swait.ge @!p0 [sflag:s14], $0x6590  }
0x1e: {  	s16 =	sadd.s32 $0x1, s12;
	s13 =	smov.u32 s11;
	[sflag:s14] =	ssyncset.done @!p0 $0x0  }
0x1f: {  	s12 =	smov.u32 s16;
	s11 =	smov.u32 s15;
	[sflag:s14] =	ssyncadd.s32 @!p0 $0xFFFF9A70  }
.LBB2_1:
0x20: {  	p0 =	sge.u32 s12, s7  }
0x21: {  	s14 =	sxor.u32 @!p0 $0x1, s12  }
0x22: {  	s14 =	smul.u32 @!p0 $0x19640, s14  }
0x23: {  	s31 =	sadd.s32 $0xFFFFFFFF, s12;
	s15 =	sshrl.u32 @!p0 s11, $0x3  }
0x24: {  	s16 =	sand.u32 @!p0 $0x7, s11;
	s15 =	sadd.s32 @!p0 s3, s15;
	s14 =	sshra.s32 @!p0 s14, $0x2  }
0x25: {  	[tilespmem:s14], [sflag:$0x2] =	stream.linear.gather @!p0 [hbm4b:s15+s16], $0x6590, $0x38;
	[tilespmem:$0x19640] =	vst v63  }
0x26: {  	p0 =	sge.u32 s31, s7  }
.Ltmp2:
0x27: {  	_ = 	snop;
	(pc) =	sbr.rel @p0 .LBB2_5-.Ltmp2, $1  }
0x28: {  	_ =	sdelay $0x3  }
0x29: {  	s14 =	sand.u32 $0x1, s12  }
0x2a: {  	_ =	swait.ge [sflag:s6], $0x6590;
	p0 =	seq.s32 s14, $0x1;
	s14 =	simm.s32 $0x6590  }
0x2b: {  	[sflag:s6] =	ssyncset.done $0x0;
	s14 =	simm.s32 @!p0 $0x0  }
0x2c: {  	[sflag:s6] =	ssyncadd.s32 $0xFFFF9A70;
	(ifvalue) =	ssetifvalue $0x7FFFFFFF;
	v0 =	vld.msk [tilespmem:s14+$0x0 ss:$0x1], $0xffff;
	_ =	sdelay $0x4  }
0x2d: {  	s15 =	sadd.s32 $0x10, s14;
	vm1 =	vgt.s32 v0, $0x0  }
0x2e: {  	v2 =	vld.msk [tilespmem:s15+$0x0 ss:$0x1], $0xffff;
	v1 =	vnsel vm1, $0x0, v0  }
0x2f: {  	v1 =	vmin.u32 v1, $0x9EB0F;
	_ =	sdelay $0x2  }
0x30: {  	s17 =	simm.s32 $0x20;
	s14 =	sadd.s32 $0xCB20, s14;
	s16 =	sadd.s32 $0x10, s15  }
0x31: {  	s15 =	sadd.s32 $0x10, s14;
	s18 =	smov.u32 s14;
	v0 =	vld.msk [tilespmem:s16+$0x0 ss:$0x1], $0xffff;
	vm1 =	vgt.s32 v2, $0x0;
	(ifvalue) =	ssetifvalue $0x7FFFFFFF  }
.LBB2_3:
0x32: {  	[tilespmem:s18], [sflag:$0x1] =	stream.indirect_vreg.gather [hbm4b:s2+s10], $0x1, v1, vm0, $0x4038;
	[tilespmem:$0x19640] =	vst v63  }
0x33: {  	s17 =	sadd.s32 $0x10, s17  }
0x34: {  	v2 =	vnsel vm1, $0x0, v2;
	p0 =	slt.u32 s17, $0x6580  }
.Ltmp3:
0x35: {  	s18 =	smov.u32 s15;
	v1 =	vmin.u32 v2, $0x9EB0F;
	(pc) =	sbr.rel @p0 .LBB2_3-.Ltmp3, $3  }
0x36: {  	_ =	sdelay $0x1  }
0x37: {  	s16 =	sadd.s32 $0x10, s16  }
0x38: {  	vm1 =	vgt.s32 v0, $0x0;
	s15 =	sadd.s32 $0x10, s15;
	v2 =	vmov v0;
	(ifvalue) =	ssetifvalue $0x7FFFFFFF;
	v0 =	vld.msk [tilespmem:s16+$0x0 ss:$0x1], $0xffff  }
.Ltmp4:
0x39: {  	_ = 	snop;
	(pc) =	sbr.rel .LBB2_4-.Ltmp4, $1  }
0x3a: {  	_ =	sdelay $0x3  }
.LBB2_6:
0x3b: {  	_ =	sfence.sel $0x180000  }
0x3c: {  	s2 =	simm.s32 $0x2;
	[bflag:$0x0] =	sbarrier.arrive $0xFFFF  }
0x3d: {  	s30 =	simm.s32 $0x3;
	[sflag:s2] =	ssyncpa.u1 $0x1  }
0x3e: {  	s31 =	simm.s32 $0x1;
	[sflag:s30] =	ssyncpa.u1 $0x1  }
0x3f: {  	[sflag:s31] =	ssyncpa.u1 $0x1  }
0x40: {  	p0 =	sne.s32 s1, $0x0;
	_ =	strace $0x90000047  }
0x41: {  	s0 =	sadd.s32 @!p0 $0x100000, s0;
	[bflag:$0x2] =	sbarrier.arrive $0xFFFF  }
0x42: {  	[sflag:s0] =	ssyncadd.tile.s32 @!p0 $0x1;
	_ =	shalt  }
.Lfunc_end2:
_tile_overlayer_lowered:
.L_overlay_start_2:
0x43: {  	(tag) =	ssettag $0x2  }
0x44: {  	s0 =	rddreg [dreg:$0x0];
	s2 =	stileid.u32  }
0x45: {  	s1 =	rddreg [dreg:$0x1];
	p0 =	sne.s32 s2, $0x0  }
0x46: {  	s3 =	rddreg [dreg:$0x2];
	[bflag:$0x3] =	sbarrier.arrive $0xFFFF;
	s2 =	simm.s32 @!p0 $0x1C01  }
0x47: {  	[timem:s3], [sflag:s2] =	dma.local @!p0 [hbm:s0], s1  }
0x48: {  	s0 =	simm.s32 @!p0 $0x1  }
0x49: {  	_ =	swait.ge @!p0 [sflag:s0], s1  }
0x4a: {  	s1 =	ssub.s32 @!p0 $0x0, s1;
	[sflag:s0] =	ssyncset.done @!p0 $0x0  }
0x4b: {  	[sflag:s0] =	ssyncadd.s32 @!p0 s1  }
0x4c: {  	[bflag:$0x3] =	sbarrier.arrive $0xFFFF  }
0x4d: {  	_ =	shalt  }

// kernel: gather_offload_async_start
scs
__scs_entry_jumppad:
0x0: {  	(pc) =	sbr.rel $0x88, $3  }
0x1: {  	(tag) =	ssettag $0x0;
	lr =	simm.s32 $0x1  }
0x2: {  	[smem:$0x3F95] =	sst lr;
	_ =	strace $0xD0000000  }
0x3: {  	_ = 	snop  }
0x4: {  	_ = 	snop  }
0x5: {  	_ = 	snop  }
0x6: {  	_ = 	snop  }
0x7: {  	_ = 	snop  }
__scs_overlays_trampoline_lowered:
0x8: {  	[smem:$0x3FA4] =	sst s0  }
0x9: {  	[smem:$0x3FA5] =	sst s1  }
0xa: {  	[smem:$0x3FA6] =	sst s2  }
0xb: {  	[smem:$0x3FA7] =	sst s3  }
0xc: {  	[smem:$0x3FA8] =	sst s4  }
0xd: {  	[smem:$0x3FA9] =	sst s5  }
0xe: {  	[smem:$0x3FAA] =	sst s6  }
0xf: {  	[smem:$0x3FAB] =	sst s7  }
0x10: {  	[smem:$0x3FAC] =	sst s8  }
0x11: {  	[smem:$0x3FAD] =	sst s9;
	s0 =	simm.s32 @!p0 $0x0  }
0x12: {  	s1 =	sld [smem:$0x3F93];
	s0 =	simm.s32 @p0 $0x1  }
0x13: {  	[smem:$0x3FAE] =	sst s0;
	s0 =	simm.s32 @!p1 $0x0  }
0x14: {  	s2 =	sld [smem:$0x3F92];
	s0 =	simm.s32 @p1 $0x1  }
0x15: {  	[smem:$0x3FAF] =	sst s0;
	s0 =	simm.s32 @!p2 $0x0  }
0x16: {  	s3 =	sld [smem:$0x3FDB];
	s0 =	simm.s32 @p2 $0x1  }
0x17: {  	s4 =	simm.s32 $0x1BF5;
	[smem:$0x3FB1] =	sst s0  }
0x18: {  	s0 =	sld [smem:$0x3F94];
	_ =	swait.ge [sflag:s4], $0x0  }
0x19: {  	s7 =	sld [smem:$0x3F95]  }
0x1a: {  	s8 =	sadd.s32 $0xFFFFE003, lr  }
0x1b: {  	s9 =	sadd.s32 $0xFFFFFEF7, lr;
	s5 =	simm.s32 $0xFFFFFFFF;
	p2 =	slt.u32 s8, $0xFFFFF086  }
0x1c: {  	p1 =	slt.u32 s9, $0xF7A;
	s5 =	simm.s32 @!p2 $0x0  }
0x1d: {  	s5 =	simm.s32 @p1 $0x1;
	p0 =	seq.s32 s7, s2  }
0x1e: {  	s7 =	smul.u32 @!p0 $0xF7A, s2;
	p2 =	seq.s32 @!p0 s5, $0x0  }
0x1f: {  	s9 =	smul.u32 $0xF7A, s1;
	s8 =	simm.s32 @!p0 $0x1BF5;
	p2 =	por !p2, p0  }
0x20: {  	[sflag:s8] =	ssyncset.s32 @!p0 $0xFFFFF086;
	s6 =	sadd.s32 @!p0 s3, s7;
	s7 =	simm.s32 @!p0 $0x108  }
0x21: {  	s3 =	sadd.s32 s3, s9;
	s6 =	sadd.s32 @!p0 $0x88, s6;
	s7 =	simm.s32 @p2 $0x1082  }
0x22: {  	[simem:s7], [sflag:s8] =	dma.local @!p0 [hbm:s6], $0xF7A  }
0x23: {  	s9 =	sor.u32 $0xD0000000, s2;
	s6 =	simm.s32 $0x108;
	_ =	swait.ge @!p0 [sflag:s8], $0x0  }
0x24: {  	s3 =	sadd.s32 $0x88, s3;
	s6 =	simm.s32 @!p1 $0x1082;
	[sflag:s4] =	ssyncset.s32 $0xFFFFF086  }
0x25: {  	[simem:s6], [sflag:s4] =	dma.local [hbm:s3], $0xF7A  }
0x26: {  	[smem:$0x3F95] =	sst s1;
	(tag) =	ssettag s2;
	_ =	strace s9  }
0x27: {  	s1 =	sld [smem:$0x3FA5]  }
0x28: {  	s2 =	sld [smem:$0x3FA6]  }
0x29: {  	s4 =	sld [smem:$0x3FA8]  }
0x2a: {  	p0 =	seq.s32 s5, $0x0;
	s5 =	sld [smem:$0x3FA9]  }
0x2b: {  	s6 =	sld [smem:$0x3FAA]  }
0x2c: {  	s7 =	sld [smem:$0x3FAB]  }
0x2d: {  	s3 =	simm.s32 $0x108;
	s8 =	sld [smem:$0x3FAC]  }
0x2e: {  	s3 =	simm.s32 @!p0 $0x1082;
	s9 =	sld [smem:$0x3FAD]  }
0x2f: {  	lr =	sadd.s32 s0, s3;
	s0 =	sld [smem:$0x3FA4]  }
0x30: {  	s3 =	sld [smem:$0x3FA7]  }
0x31: {  	[smem:$0x3FB0] =	sst s10  }
0x32: {  	s10 =	sld [smem:$0x3FAE];
	_ =	sdelay $0x3  }
0x33: {  	p0 =	seq.s32 s10, $0x1;
	s10 =	sld [smem:$0x3FB0];
	_ =	sdelay $0x3  }
0x34: {  	[smem:$0x3FB0] =	sst s10  }
0x35: {  	s10 =	sld [smem:$0x3FAF];
	_ =	sdelay $0x3  }
0x36: {  	p1 =	seq.s32 s10, $0x1;
	s10 =	sld [smem:$0x3FB0];
	_ =	sdelay $0x3  }
0x37: {  	[smem:$0x3FB0] =	sst s10  }
0x38: {  	s10 =	sld [smem:$0x3FB1]  }
0x39: {  	_ = 	snop;
	(pc) =	sbr.ind lr, $3  }
0x3a: {  	_ = 	snop  }
0x3b: {  	_ = 	snop  }
0x3c: {  	p2 =	seq.s32 s10, $0x1;
	s10 =	sld [smem:$0x3FB0]  }
0x3d: {  	_ =	shalt  }
0x3e: {  	_ =	shalt  }
0x3f: {  	_ =	shalt  }
0x40: {  	_ =	shalt  }
0x41: {  	_ =	shalt  }
0x42: {  	_ =	shalt  }
0x43: {  	_ =	shalt  }
0x44: {  	_ =	shalt  }
0x45: {  	_ =	shalt  }
0x46: {  	_ =	shalt  }
0x47: {  	_ =	shalt  }
0x48: {  	_ =	shalt  }
0x49: {  	_ =	shalt  }
0x4a: {  	_ =	shalt  }
0x4b: {  	_ =	shalt  }
0x4c: {  	_ =	shalt  }
0x4d: {  	_ =	shalt  }
0x4e: {  	_ =	shalt  }
0x4f: {  	_ =	shalt  }
0x50: {  	_ =	shalt  }
0x51: {  	_ =	shalt  }
0x52: {  	_ =	shalt  }
0x53: {  	_ =	shalt  }
0x54: {  	_ =	shalt  }
0x55: {  	_ =	shalt  }
0x56: {  	_ =	shalt  }
0x57: {  	_ =	shalt  }
0x58: {  	_ =	shalt  }
0x59: {  	_ =	shalt  }
0x5a: {  	_ =	shalt  }
0x5b: {  	_ =	shalt  }
0x5c: {  	_ =	shalt  }
0x5d: {  	_ =	shalt  }
0x5e: {  	_ =	shalt  }
0x5f: {  	_ =	shalt  }
0x60: {  	_ =	shalt  }
0x61: {  	_ =	shalt  }
0x62: {  	_ =	shalt  }
0x63: {  	_ =	shalt  }
0x64: {  	_ =	shalt  }
0x65: {  	_ =	shalt  }
0x66: {  	_ =	shalt  }
0x67: {  	_ =	shalt  }
0x68: {  	_ =	shalt  }
0x69: {  	_ =	shalt  }
0x6a: {  	_ =	shalt  }
0x6b: {  	_ =	shalt  }
0x6c: {  	_ =	shalt  }
0x6d: {  	_ =	shalt  }
0x6e: {  	_ =	shalt  }
0x6f: {  	_ =	shalt  }
0x70: {  	_ =	shalt  }
0x71: {  	_ =	shalt  }
0x72: {  	_ =	shalt  }
0x73: {  	_ =	shalt  }
0x74: {  	_ =	shalt  }
0x75: {  	_ =	shalt  }
0x76: {  	_ =	shalt  }
0x77: {  	_ =	shalt  }
0x78: {  	_ =	shalt  }
0x79: {  	_ =	shalt  }
0x7a: {  	_ =	shalt  }
0x7b: {  	_ =	shalt  }
0x7c: {  	_ =	shalt  }
0x7d: {  	_ =	shalt  }
0x7e: {  	_ =	shalt  }
0x7f: {  	_ =	shalt  }
0x80: {  	_ =	shalt  }
0x81: {  	_ =	shalt  }
0x82: {  	_ =	shalt  }
0x83: {  	_ =	shalt  }
0x84: {  	_ =	shalt  }
0x85: {  	_ =	shalt  }
0x86: {  	_ =	shalt  }
0x87: {  	_ =	shalt  }
.Lfunc_end0:
.L_simem_size_0:
called_computation_lowered:
.L_overlay_start_0:
0x88: {  	s0 =	sld [smem:$0x3FD9]  }
0x89: {  	s1 =	sld [smem:$0x3FFE];
	_ =	sdelay $0x3  }
0x8a: {  	s0 =	sadd.s32 s1, s0  }
0x8b: {  	[smem:$0x3FBC] =	sst s0  }
0x8c: {  	_ = 	snop  }
0x8d: {  	(tm) =	ssettm $0x1  }
0x8e: {  	s15 =	sld [smem:$0x3FFB];
	_ =	sdelay $0x3  }
0x8f: {  	_ =	strace s15  }
0x90: {  	s0 =	sld [smem:$0x3FFC];
	_ =	sdelay $0x3  }
0x91: {  	_ =	strace s0  }
0x92: {  	s0 =	sld [smem:$0x3FFD];
	_ =	sdelay $0x3  }
0x93: {  	_ =	strace s0  }
0x94: {  	_ =	strace $0x8FFFFFFF  }
0x95: {  	s16 =	sld [smem:$0x3FDB];
	_ =	sdelay $0x1  }
0x96: {  	s17 =	simm.s32 $_scs_section_size  }
0x97: {  	s2 =	simm.s32 $_size__tile_overlayer_lowered;
	s3 =	simm.s32 $_tile_overlayer_lowered  }
0x98: {  	s20 =	simm.s32 $0x1BFF;
	s19 =	sshll.u32 s3, $0x1;
	s0 =	sadd.s32 s17, s16  }
0x99: {  	s4 =	simm.s32 $0x0;
	s18 =	sshll.u32 s2, $0x1;
	s2 =	sadd.s32 s19, s0  }
0x9a: {  	[timem:s4], [sflag:s20] =	dma.local [hbm:s2], s18  }
0x9b: {  	_ =	swait.ge [sflag:s20], s18  }
0x9c: {  	s1 =	ssub.s32 $0x0, s18;
	[sflag:s20] =	ssyncset.done $0x0  }
0x9d: {  	[sflag:s20] =	ssyncadd.s32 s1;
	_ =	sdelay $0x1  }
0x9e: {  	s21 =	simm.s32 $0x1B8B  }
0x9f: {  	_ =	swait.ge [sflag:s21], $0x1  }
0xa0: {  	[sflag:s21] =	ssyncset.done $0x0  }
0xa1: {  	s23 =	simm.s32 $0x1B8E;
	s22 =	sld [smem:$0x3FFE];
	[sflag:s21] =	ssyncadd.s32 $0xFFFFFFFF  }
0xa2: {  	s24 =	simm.s32 $execute0_lowered;
	[smem:$0x3FD2] =	sst s23  }
0xa3: {  	s2 =	sshll.u32 s24, $0x1;
	_ =	strace $0x80000049;
	[dreg:$0x1] =	wrdreg $0xFFFFFFFF  }
0xa4: {  	s25 =	simm.s32 $_size_execute0_lowered;
	s0 =	sadd.s32 s0, s2;
	[dreg:$0x0] =	wrdreg $0x0  }
0xa5: {  	s2 =	sshll.u32 s25, $0x1;
	[dreg:$0x2] =	wrdreg s0  }
0xa6: {  	[dreg:$0x3] =	wrdreg s2  }
0xa7: {  	[dreg:$0x4] =	wrdreg $0xC0  }
0xa8: {  	_ =	task [dreg:s4], $0x5FFFF  }
0xa9: {  	[dreg:$0x1] =	wrdreg $0xFFFFFFFF  }
0xaa: {  	[dreg:$0x0] =	wrdreg $0x60  }
0xab: {  	[dreg:$0x2] =	wrdreg s22  }
0xac: {  	[dreg:$0x3] =	wrdreg $0x9  }
0xad: {  	_ =	task.clear_ibuf [dreg:s4], $0x4FFFF;
	_ =	strace $0x90000049  }
0xae: {  	s26 =	simm.s32 $0x9;
	_ =	strace $0x8000004B  }
0xaf: {  	_ =	swait.ge [sflag:s26], $0x1  }
0xb0: {  	[sflag:s26] =	ssyncadd.s32 $0xFFFFFFFF  }
0xb1: {  	_ =	strace $0x9000004B  }
0xb2: {  	_ =	sfence  }
0xb3: {  	s28 =	sld [smem:$0x0];
	_ =	sdelay $0x1  }
0xb4: {  	s29 =	srdreg.scid  }
0xb5: {  	s30 =	sshll.u32 s29, $0xD;
	s31 =	sshrl.u32 s29, $0x2  }
0xb6: {  	s1 =	sand.u32 $0x1, s29;
	s2 =	sand.u32 $0x4000, s30;
	s0 =	sadd.s32 s31, s28  }
0xb7: {  	s1 =	sor.u32 s2, s1;
	s0 =	sshll.u32 s0, $0x11  }
0xb8: {  	s0 =	sor.u32 s0, s1  }
0xb9: {  	s0 =	sadd.s32 $0x8F2B, s0  }
0xba: {  	[sflag:s0] =	ssyncadd.remote.s32 $0x1  }
0xbb: {  	_ =	sfence.sel $0xFFFF  }
0xbc: {  	[dreg:$0x0] =	wrdreg $0xFFFFFFFF;
	(pc) =	sbr.abs _section_cstart, $3  }
0xbd: {  	[dreg:$0x1] =	wrdreg $0xFFFFFFFF  }
0xbe: {  	_ =	task.clear_ibuf [dreg:s4], $0x2FFFF;
	_ =	strace $0x9FFFFFFF  }
0xbf: {  	(tm) =	ssettm $0x7FFFFFFF  }
tec
execute0_lowered:
.L_overlay_start_1:
0x0: {  	(tag) =	ssettag $0x1  }
0x1: {  	s8 =	rddreg [dreg:$0x0]  }
0x2: {  	s0 =	rddreg [dreg:$0x1];
	_ =	strace $0x8000004A  }
0x3: {  	s4 =	simm.s32 $0x1;
	s1 =	stileid.u32;
	s7 =	simm.s32 $0x1  }
0x4: {  	s9 =	simm.s32 $0x1;
	s6 =	simm.s32 $0x2;
	s10 =	simm.s32 $0x3  }
0x5: {  	s13 =	simm.s32 $0x0;
	s12 =	simm.s32 $0x0;
	s2 =	sadd.s32 $0x19000, s8  }
.Ltmp0:
0x6: {  	s3 =	sadd.s32 $0x40C00, s8;
	p0 =	slt.u32 s1, $0xA;
	(pc) =	sbr.rel .LBB2_1-.Ltmp0, $4  }
0x7: {  	[sflag:s4] =	ssyncpa.u1 $0x0;
	s7 =	simm.s32 @!p0 $0x0;
	p0 =	sne.s32 s1, $0x9  }
0x8: {  	s5 =	smul.u32 $0x6590, s1;
	[sflag:s6] =	ssyncpa.u1 $0x0;
	s9 =	simm.s32 @!p0 $0x0  }
0x9: {  	s8 =	sadd.s32 $0x6A800, s8;
	[sflag:s10] =	ssyncpa.u1 $0x0;
	s7 =	sadd.s32 s9, s7  }
0xa: {  	vm0 =	vmmov $0xffff;
	s10 =	simm.s32 $0x0;
	s11 =	smov.u32 s5;
	s9 =	sadd.s32 $0x1, s7  }
.LBB2_4:
0xb: {  	v2 =	vnsel vm1, $0x0, v2  }
0xc: {  	vm1 =	vgt.s32 v0, $0x0;
	v2 =	vmin.u32 v2, $0x9EB0F  }
0xd: {  	v0 =	vnsel vm1, $0x0, v0  }
0xe: {  	v0 =	vmin.u32 v0, $0x9EB0F  }
0xf: {  	[tilespmem:s18], [sflag:$0x1] =	stream.indirect_vreg.gather [hbm4b:s2+s10], $0x1, v1, vm0, $0x4038;
	[tilespmem:$0x19640] =	vst v63  }
0x10: {  	(ifvalue) =	ssetifvalue $0x7FFFFFFF  }
0x11: {  	[tilespmem:s15], [sflag:$0x1] =	stream.indirect_vreg.gather [hbm4b:s2+s10], $0x1, v2, vm0, $0x4038;
	[tilespmem:$0x19640] =	vst v63  }
0x12: {  	s29 =	sadd.s32 $0x10, s15;
	(ifvalue) =	ssetifvalue $0x7FFFFFFF  }
0x13: {  	[tilespmem:s29], [sflag:$0x1] =	stream.indirect_vreg.gather [hbm4b:s2+s10], $0x1, v0, vm0, $0x4038;
	[tilespmem:$0x19640] =	vst v63  }
0x14: {  	_ =	swait.ge [sflag:s4], $0x6590  }
0x15: {  	s30 =	sshrl.u32 s13, $0x3;
	[sflag:s4] =	ssyncset.done $0x0  }
0x16: {  	s31 =	sand.u32 $0x7, s13;
	s15 =	sadd.s32 s8, s30;
	[sflag:s4] =	ssyncadd.s32 $0xFFFF9A70  }
0x17: {  	[hbm4b:s15+s31] =	stream.linear.scatter [tilespmem:s14], [sflag:$0x3], $0x6590, $0x38;
	[tilespmem:$0x19640] =	vst v63  }
.LBB2_5:
0x18: {  	s15 =	sadd.s32 $0x65900, s11  }
0x19: {  	p1 =	sgt.s32 s15, $0x9EB0F  }
0x1a: {  	s15 =	smov.u32 @p1 s5;
	p1 =	sne.s32 s12, s9  }
.Ltmp1:
0x1b: {  	p0 =	slt.u32 s12, $0x2;
	(pc) =	sbr.rel @!p1 .LBB2_6-.Ltmp1, $4  }
0x1c: {  	s14 =	simm.s32 @!p0 $0x3  }
0x1d: {  	_ =	swait.ge @!p0 [sflag:s14], $0x6590  }
0x1e: {  	s16 =	sadd.s32 $0x1, s12;
	s13 =	smov.u32 s11;
	[sflag:s14] =	ssyncset.done @!p0 $0x0  }
0x1f: {  	s12 =	smov.u32 s16;
	s11 =	smov.u32 s15;
	[sflag:s14] =	ssyncadd.s32 @!p0 $0xFFFF9A70  }
.LBB2_1:
0x20: {  	p0 =	sge.u32 s12, s7  }
0x21: {  	s14 =	sxor.u32 @!p0 $0x1, s12  }
0x22: {  	s14 =	smul.u32 @!p0 $0x19640, s14  }
0x23: {  	s31 =	sadd.s32 $0xFFFFFFFF, s12;
	s15 =	sshrl.u32 @!p0 s11, $0x3  }
0x24: {  	s16 =	sand.u32 @!p0 $0x7, s11;
	s15 =	sadd.s32 @!p0 s3, s15;
	s14 =	sshra.s32 @!p0 s14, $0x2  }
0x25: {  	[tilespmem:s14], [sflag:$0x2] =	stream.linear.gather @!p0 [hbm4b:s15+s16], $0x6590, $0x38;
	[tilespmem:$0x19640] =	vst v63  }
0x26: {  	p0 =	sge.u32 s31, s7  }
.Ltmp2:
0x27: {  	_ = 	snop;
	(pc) =	sbr.rel @p0 .LBB2_5-.Ltmp2, $1  }
0x28: {  	_ =	sdelay $0x3  }
0x29: {  	s14 =	sand.u32 $0x1, s12  }
0x2a: {  	_ =	swait.ge [sflag:s6], $0x6590;
	p0 =	seq.s32 s14, $0x1;
	s14 =	simm.s32 $0x6590  }
0x2b: {  	[sflag:s6] =	ssyncset.done $0x0;
	s14 =	simm.s32 @!p0 $0x0  }
0x2c: {  	[sflag:s6] =	ssyncadd.s32 $0xFFFF9A70;
	(ifvalue) =	ssetifvalue $0x7FFFFFFF;
	v0 =	vld.msk [tilespmem:s14+$0x0 ss:$0x1], $0xffff;
	_ =	sdelay $0x4  }
0x2d: {  	s15 =	sadd.s32 $0x10, s14;
	vm1 =	vgt.s32 v0, $0x0  }
0x2e: {  	v2 =	vld.msk [tilespmem:s15+$0x0 ss:$0x1], $0xffff;
	v1 =	vnsel vm1, $0x0, v0  }
0x2f: {  	v1 =	vmin.u32 v1, $0x9EB0F;
	_ =	sdelay $0x2  }
0x30: {  	s17 =	simm.s32 $0x20;
	s14 =	sadd.s32 $0xCB20, s14;
	s16 =	sadd.s32 $0x10, s15  }
0x31: {  	s15 =	sadd.s32 $0x10, s14;
	s18 =	smov.u32 s14;
	v0 =	vld.msk [tilespmem:s16+$0x0 ss:$0x1], $0xffff;
	vm1 =	vgt.s32 v2, $0x0;
	(ifvalue) =	ssetifvalue $0x7FFFFFFF  }
.LBB2_3:
0x32: {  	[tilespmem:s18], [sflag:$0x1] =	stream.indirect_vreg.gather [hbm4b:s2+s10], $0x1, v1, vm0, $0x4038;
	[tilespmem:$0x19640] =	vst v63  }
0x33: {  	s17 =	sadd.s32 $0x10, s17  }
0x34: {  	v2 =	vnsel vm1, $0x0, v2;
	p0 =	slt.u32 s17, $0x6580  }
.Ltmp3:
0x35: {  	s18 =	smov.u32 s15;
	v1 =	vmin.u32 v2, $0x9EB0F;
	(pc) =	sbr.rel @p0 .LBB2_3-.Ltmp3, $3  }
0x36: {  	_ =	sdelay $0x1  }
0x37: {  	s16 =	sadd.s32 $0x10, s16  }
0x38: {  	vm1 =	vgt.s32 v0, $0x0;
	s15 =	sadd.s32 $0x10, s15;
	v2 =	vmov v0;
	(ifvalue) =	ssetifvalue $0x7FFFFFFF;
	v0 =	vld.msk [tilespmem:s16+$0x0 ss:$0x1], $0xffff  }
.Ltmp4:
0x39: {  	_ = 	snop;
	(pc) =	sbr.rel .LBB2_4-.Ltmp4, $1  }
0x3a: {  	_ =	sdelay $0x3  }
.LBB2_6:
0x3b: {  	_ =	sfence.sel $0x180000  }
0x3c: {  	s2 =	simm.s32 $0x2;
	[bflag:$0x0] =	sbarrier.arrive $0xFFFF  }
0x3d: {  	s30 =	simm.s32 $0x3;
	[sflag:s2] =	ssyncpa.u1 $0x1  }
0x3e: {  	s31 =	simm.s32 $0x1;
	[sflag:s30] =	ssyncpa.u1 $0x1  }
0x3f: {  	[sflag:s31] =	ssyncpa.u1 $0x1  }
0x40: {  	p0 =	sne.s32 s1, $0x0;
	_ =	strace $0x9000004A  }
0x41: {  	s0 =	sadd.s32 @!p0 $0x100000, s0;
	[bflag:$0x2] =	sbarrier.arrive $0xFFFF  }
0x42: {  	[sflag:s0] =	ssyncadd.tile.s32 @!p0 $0x1;
	_ =	shalt  }
.Lfunc_end2:
_tile_overlayer_lowered:
.L_overlay_start_2:
0x43: {  	(tag) =	ssettag $0x2  }
0x44: {  	s0 =	rddreg [dreg:$0x0];
	s2 =	stileid.u32  }
0x45: {  	s1 =	rddreg [dreg:$0x1];
	p0 =	sne.s32 s2, $0x0  }
0x46: {  	s3 =	rddreg [dreg:$0x2];
	[bflag:$0x3] =	sbarrier.arrive $0xFFFF;
	s2 =	simm.s32 @!p0 $0x1C01  }
0x47: {  	[timem:s3], [sflag:s2] =	dma.local @!p0 [hbm:s0], s1  }
0x48: {  	s0 =	simm.s32 @!p0 $0x1  }
0x49: {  	_ =	swait.ge @!p0 [sflag:s0], s1  }
0x4a: {  	s1 =	ssub.s32 @!p0 $0x0, s1;
	[sflag:s0] =	ssyncset.done @!p0 $0x0  }
0x4b: {  	[sflag:s0] =	ssyncadd.s32 @!p0 s1  }
0x4c: {  	[bflag:$0x3] =	sbarrier.arrive $0xFFFF  }
0x4d: {  	_ =	shalt  }

</sc_bundles>
